<compile_context>
chip_gen: v7x
topology: tpu7x:2x2x1
jax: 0.10.2.dev20260603
libtpu: 0.0.44.dev20260713+nightly
codegen_flags: <defaults>
</compile_context>

<pallas_src>
import functools

import jax
import jax.numpy as jnp
from jax import lax
from jax.experimental import pallas as pl
from jax.experimental.pallas import tpu as pltpu
from jax.experimental.pallas import tpu_sc as plsc

_NUM_ACTIONS = 1000
_D = 128
_LANES = 16
_NBUF = 8
_CHUNK = 64


def _sc_gather(flat_idx, table):
    n = flat_idx.shape[0]
    chunk = _CHUNK
    info = plsc.get_sparse_core_info()
    num_workers = info.num_cores * info.num_subcores
    per_worker = n // num_workers
    num_chunks = per_worker // chunk
    assert per_worker * num_workers == n
    assert num_chunks * chunk == per_worker
    assert num_chunks % _NBUF == 0 and num_chunks >= 2 * _NBUF

    mesh = plsc.VectorSubcoreMesh(core_axis_name="c", subcore_axis_name="s")

    @functools.partial(
        pl.kernel,
        out_type=jax.ShapeDtypeStruct((n, _D), jnp.float32),
        mesh=mesh,
        scratch_types=[
            pltpu.VMEM((per_worker,), jnp.int32),
            [pltpu.VMEM((chunk, _D), jnp.float32) for _ in range(_NBUF)],
            pltpu.VMEM_SHARED(table.shape, table.dtype),
            [pltpu.SemaphoreType.DMA for _ in range(_NBUF)],
            [pltpu.SemaphoreType.DMA for _ in range(_NBUF)],
        ],
    )
    def body(tab_hbm, idx_hbm, out_hbm, idx_all, rows, tab_sp, gs, ss):
        wid = lax.axis_index("s") * info.num_cores + lax.axis_index("c")
        base = wid * per_worker

        @pl.when(lax.axis_index("s") == 0)
        def _():
            pltpu.sync_copy(tab_hbm, tab_sp)

        pltpu.sync_copy(idx_hbm.at[pl.ds(base, per_worker)], idx_all)

        def remap(j, c):
            s = pl.multiple_of(j * _LANES, 8)
            v = idx_all[pl.ds(s, _LANES)]
            idx_all[pl.ds(s, _LANES)] = jnp.where(v < 0, _NUM_ACTIONS, v)
            return c

        lax.fori_loop(0, per_worker // _LANES, remap, 0, unroll=8)
        plsc.subcore_barrier()

        def idx_at(i):
            return idx_all.at[pl.ds(pl.multiple_of(i * chunk, 8), chunk)]

        def out_at(i):
            return out_hbm.at[pl.ds(pl.multiple_of(base + i * chunk, 8), chunk)]

        def gather(i, b):
            return pltpu.make_async_copy(tab_sp.at[idx_at(i)], rows[b], gs[b])

        def scatter(i, b):
            return pltpu.make_async_copy(rows[b], out_at(i), ss[b])

        gather(0, 0).start()

        def ring(g, carry):
            for b in range(_NBUF):
                i = g + b
                nb = (b + 1) % _NBUF

                @pl.when(i + 1 < num_chunks)
                def _():
                    @pl.when(i - (_NBUF - 1) >= 0)
                    def _():
                        scatter(i - (_NBUF - 1), nb).wait()

                    gather(i + 1, nb).start()

                gather(i, b).wait()
                scatter(i, b).start()
            return carry

        lax.fori_loop(0, num_chunks // _NBUF,
                      lambda t, c: ring(t * _NBUF, c), 0)

        for b in range(_NBUF):
            scatter(num_chunks - _NBUF + b, b).wait()

    return body(table, flat_idx)


def kernel(actions, table):
    b, h = actions.shape
    out = _sc_gather(actions.reshape(b * h), table)
    return out.reshape(b, h, _D)

# --- scband reference (transcript-rebuilt; emitter-appended) ---
"""Pipeline reference for scband-tokenizer-68959994904867 (READ-ONLY COPY).

The authoritative reference and input builder live on the scoring server;
editing this copy changes nothing except your own understanding.
"""

import jax, jax.numpy as jnp
import numpy as np

NUM_ACTIONS = 1000
D_MODEL = 128
BATCH = 4096
HIST = 200

def setup_inputs(seed: int = 0):
    key = jax.random.key(seed)
    k1, k2 = jax.random.split(key)
    actions = jax.random.randint(k1, (BATCH, HIST), 0, NUM_ACTIONS, dtype=jnp.int32)
    # Embedding table: num_actions + 1 rows (add_one_more_action=True)
    table = jax.random.normal(k2, (NUM_ACTIONS + 1, D_MODEL), dtype=jnp.float32)
    return {"actions": actions, "table": table}

def reference(actions, table):
    # Faithful translation of Tokenizer.forward with add_one_more_action=True:
    # actions == -1 are remapped to the extra token id = num_actions
    new_actions = jnp.where(actions == -1, NUM_ACTIONS, actions)
    return jnp.take(table, new_actions, axis=0)

if __name__ == "__main__":
    import jax
    _d = setup_inputs()
    print(jax.jit(kernel)(*tuple(_d.values())))

</pallas_src>

<mosaic_0001>
#map = affine_map<(d0, d1) -> (0, 0)>
#map1 = affine_map<(d0, d1) -> (0)>
module attributes {stable_mosaic.version = 14 : i64} {
  func.func @body(%arg0: i32, %arg1: i32, %arg2: memref<1001x128xf32, #tpu.memory_space<hbm>>, %arg3: memref<819200xi32, #tpu.memory_space<hbm>>, %arg4: memref<819200x128xf32, #tpu.memory_space<hbm>>, %arg5: memref<25600xi32, #tpu.memory_space<vmem>>, %arg6: memref<64x128xf32, #tpu.memory_space<vmem>>, %arg7: memref<64x128xf32, #tpu.memory_space<vmem>>, %arg8: memref<64x128xf32, #tpu.memory_space<vmem>>, %arg9: memref<64x128xf32, #tpu.memory_space<vmem>>, %arg10: memref<64x128xf32, #tpu.memory_space<vmem>>, %arg11: memref<64x128xf32, #tpu.memory_space<vmem>>, %arg12: memref<64x128xf32, #tpu.memory_space<vmem>>, %arg13: memref<64x128xf32, #tpu.memory_space<vmem>>, %arg14: memref<1001x128xf32, #tpu.memory_space<vmem_shared>>, %arg15: memref<!tpu.dma_semaphore, #tpu.memory_space<semaphore_mem>>, %arg16: memref<!tpu.dma_semaphore, #tpu.memory_space<semaphore_mem>>, %arg17: memref<!tpu.dma_semaphore, #tpu.memory_space<semaphore_mem>>, %arg18: memref<!tpu.dma_semaphore, #tpu.memory_space<semaphore_mem>>, %arg19: memref<!tpu.dma_semaphore, #tpu.memory_space<semaphore_mem>>, %arg20: memref<!tpu.dma_semaphore, #tpu.memory_space<semaphore_mem>>, %arg21: memref<!tpu.dma_semaphore, #tpu.memory_space<semaphore_mem>>, %arg22: memref<!tpu.dma_semaphore, #tpu.memory_space<semaphore_mem>>, %arg23: memref<!tpu.dma_semaphore, #tpu.memory_space<semaphore_mem>>, %arg24: memref<!tpu.dma_semaphore, #tpu.memory_space<semaphore_mem>>, %arg25: memref<!tpu.dma_semaphore, #tpu.memory_space<semaphore_mem>>, %arg26: memref<!tpu.dma_semaphore, #tpu.memory_space<semaphore_mem>>, %arg27: memref<!tpu.dma_semaphore, #tpu.memory_space<semaphore_mem>>, %arg28: memref<!tpu.dma_semaphore, #tpu.memory_space<semaphore_mem>>, %arg29: memref<!tpu.dma_semaphore, #tpu.memory_space<semaphore_mem>>, %arg30: memref<!tpu.dma_semaphore, #tpu.memory_space<semaphore_mem>>) attributes {dimension_semantics = [#tpu.dimension_semantics<core_parallel>, #tpu.dimension_semantics<subcore_parallel>], iteration_bounds = array<i64: 2, 16>, scalar_prefetch = 0 : i64, scratch_operands = 26 : i64, tpu.core_type = #tpu.core_type<sc_vector_subcore>, window_params = [{transform_indices = #map}, {transform_indices = #map1}, {transform_indices = #map}]} {
    %mul3A = arith.constant 2 : i32
    %mul3A_0 = arith.muli %arg1, %mul3A : i32
    %add3A = arith.addi %mul3A_0, %arg0 : i32
    %mul3A_1 = arith.constant 25600 : i32
    %mul3A_2 = arith.muli %add3A, %mul3A_1 : i32
    %eq3A = arith.constant 0 : i32
    %eq3A_3 = arith.cmpi eq, %arg1, %eq3A : i32
    %convert_element_type3A = arith.extui %eq3A_3 : i1 to i32
    %cond3A = arith.constant 0 : i32
    %cond3A_4 = arith.cmpi ne, %convert_element_type3A, %cond3A : i32
    scf.if %cond3A_4 {
      "tpu.region"() ({
        %run_scoped3A = tpu.sem_alloc : memref<!tpu.dma_semaphore, #tpu.memory_space<semaphore_mem>>
        tpu.enqueue_dma source(%arg2 : memref<1001x128xf32, #tpu.memory_space<hbm>>) target(%arg14 : memref<1001x128xf32, #tpu.memory_space<vmem_shared>>) target_semaphore(%run_scoped3A : memref<!tpu.dma_semaphore, #tpu.memory_space<semaphore_mem>>)
        tpu.wait_dma2 semaphore(%run_scoped3A : memref<!tpu.dma_semaphore, #tpu.memory_space<semaphore_mem>>) src(%arg2 : memref<1001x128xf32, #tpu.memory_space<hbm>>) dst(%arg14 : memref<1001x128xf32, #tpu.memory_space<vmem_shared>>)
        tpu.yield
      }) : () -> ()
    } else {
    }
    "tpu.region"() ({
      %run_scoped3A = tpu.sem_alloc : memref<!tpu.dma_semaphore, #tpu.memory_space<semaphore_mem>>
      %dma_start3A_75 = tpu.memref_slice %arg3[%mul3A_2] : memref<819200xi32, #tpu.memory_space<hbm>> -> memref<25600xi32, #tpu.memory_space<hbm>>
      %dma_start3A_76 = tpu.memref_slice %arg3[%mul3A_2] : memref<819200xi32, #tpu.memory_space<hbm>> -> memref<25600xi32, #tpu.memory_space<hbm>>
      tpu.enqueue_dma source(%dma_start3A_76 : memref<25600xi32, #tpu.memory_space<hbm>>) target(%arg5 : memref<25600xi32, #tpu.memory_space<vmem>>) target_semaphore(%run_scoped3A : memref<!tpu.dma_semaphore, #tpu.memory_space<semaphore_mem>>)
      %dma_wait3A_77 = tpu.memref_slice %arg3[%mul3A_2] : memref<819200xi32, #tpu.memory_space<hbm>> -> memref<25600xi32, #tpu.memory_space<hbm>>
      %dma_wait3A_78 = tpu.memref_slice %arg3[%mul3A_2] : memref<819200xi32, #tpu.memory_space<hbm>> -> memref<25600xi32, #tpu.memory_space<hbm>>
      tpu.wait_dma2 semaphore(%run_scoped3A : memref<!tpu.dma_semaphore, #tpu.memory_space<semaphore_mem>>) src(%dma_wait3A_78 : memref<25600xi32, #tpu.memory_space<hbm>>) dst(%arg5 : memref<25600xi32, #tpu.memory_space<vmem>>)
      tpu.yield
    }) : () -> ()
    %scan3A = arith.constant 0 : i32
    %scan3A_5 = arith.constant 0 : i32
    %scan3A_6 = arith.constant 1600 : i32
    %scan3A_7 = arith.addi %scan3A_5, %scan3A_6 : i32
    %scan3A_8 = arith.constant 8 : i32
    scf.for %scan3A_75 = %scan3A_5 to %scan3A_7 step %scan3A_8  : i32 {
      %mul3A_76 = arith.constant 16 : i32
      %mul3A_77 = arith.muli %scan3A_75, %mul3A_76 : i32
      %multiple_of3A_78 = tpu.assume_multiple %mul3A_77, 8 : i32
      %get3A = arith.index_cast %multiple_of3A_78 : i32 to index
      %get3A_79 = tpu.vector_load %arg5[%get3A] {strides = array<i32>} : memref<25600xi32, #tpu.memory_space<vmem>>, vector<16xi32>,
      %get3A_80 = vector.shape_cast %get3A_79 : vector<16xi32> to vector<16xi32>
      %lt3A = arith.constant 0 : i32
      %lt3A_81 = vector.broadcast %lt3A : i32 to vector<16xi32>
      %lt3A_82 = arith.cmpi slt, %get3A_80, %lt3A_81 : vector<16xi32>
      %jit3A = arith.constant 1000 : i32
      %broadcast_in_dim3A = vector.broadcast %jit3A : i32 to vector<16xi32>
      %select_n3A = arith.select %lt3A_82, %broadcast_in_dim3A, %get3A_80 : vector<16xi1>, vector<16xi32>
      %swap3A = arith.index_cast %multiple_of3A_78 : i32 to index
      %swap3A_83 = tpu.vector_load %arg5[%swap3A] {strides = array<i32>} : memref<25600xi32, #tpu.memory_space<vmem>>, vector<16xi32>,
      %swap3A_84 = vector.shape_cast %swap3A_83 : vector<16xi32> to vector<16xi32>
      %swap3A_85 = vector.shape_cast %select_n3A : vector<16xi32> to vector<16xi32>
      tpu.vector_store %arg5[%swap3A], %swap3A_85 {strides = array<i32>} : memref<25600xi32, #tpu.memory_space<vmem>>, vector<16xi32>,
      %scan3A_86 = arith.constant 1 : i32
      %scan3A_87 = arith.addi %scan3A_75, %scan3A_86 : i32
      %mul3A_88 = arith.constant 16 : i32
      %mul3A_89 = arith.muli %scan3A_87, %mul3A_88 : i32
      %multiple_of3A_90 = tpu.assume_multiple %mul3A_89, 8 : i32
      %get3A_91 = arith.index_cast %multiple_of3A_90 : i32 to index
      %get3A_92 = tpu.vector_load %arg5[%get3A_91] {strides = array<i32>} : memref<25600xi32, #tpu.memory_space<vmem>>, vector<16xi32>,
      %get3A_93 = vector.shape_cast %get3A_92 : vector<16xi32> to vector<16xi32>
      %lt3A_94 = arith.constant 0 : i32
      %lt3A_95 = vector.broadcast %lt3A_94 : i32 to vector<16xi32>
      %lt3A_96 = arith.cmpi slt, %get3A_93, %lt3A_95 : vector<16xi32>
      %jit3A_97 = arith.constant 1000 : i32
      %broadcast_in_dim3A_98 = vector.broadcast %jit3A_97 : i32 to vector<16xi32>
      %select_n3A_99 = arith.select %lt3A_96, %broadcast_in_dim3A_98, %get3A_93 : vector<16xi1>, vector<16xi32>
      %swap3A_100 = arith.index_cast %multiple_of3A_90 : i32 to index
      %swap3A_101 = tpu.vector_load %arg5[%swap3A_100] {strides = array<i32>} : memref<25600xi32, #tpu.memory_space<vmem>>, vector<16xi32>,
      %swap3A_102 = vector.shape_cast %swap3A_101 : vector<16xi32> to vector<16xi32>
      %swap3A_103 = vector.shape_cast %select_n3A_99 : vector<16xi32> to vector<16xi32>
      tpu.vector_store %arg5[%swap3A_100], %swap3A_103 {strides = array<i32>} : memref<25600xi32, #tpu.memory_space<vmem>>, vector<16xi32>,
      %scan3A_104 = arith.constant 2 : i32
      %scan3A_105 = arith.addi %scan3A_75, %scan3A_104 : i32
      %mul3A_106 = arith.constant 16 : i32
      %mul3A_107 = arith.muli %scan3A_105, %mul3A_106 : i32
      %multiple_of3A_108 = tpu.assume_multiple %mul3A_107, 8 : i32
      %get3A_109 = arith.index_cast %multiple_of3A_108 : i32 to index
      %get3A_110 = tpu.vector_load %arg5[%get3A_109] {strides = array<i32>} : memref<25600xi32, #tpu.memory_space<vmem>>, vector<16xi32>,
      %get3A_111 = vector.shape_cast %get3A_110 : vector<16xi32> to vector<16xi32>
      %lt3A_112 = arith.constant 0 : i32
      %lt3A_113 = vector.broadcast %lt3A_112 : i32 to vector<16xi32>
      %lt3A_114 = arith.cmpi slt, %get3A_111, %lt3A_113 : vector<16xi32>
      %jit3A_115 = arith.constant 1000 : i32
      %broadcast_in_dim3A_116 = vector.broadcast %jit3A_115 : i32 to vector<16xi32>
      %select_n3A_117 = arith.select %lt3A_114, %broadcast_in_dim3A_116, %get3A_111 : vector<16xi1>, vector<16xi32>
      %swap3A_118 = arith.index_cast %multiple_of3A_108 : i32 to index
      %swap3A_119 = tpu.vector_load %arg5[%swap3A_118] {strides = array<i32>} : memref<25600xi32, #tpu.memory_space<vmem>>, vector<16xi32>,
      %swap3A_120 = vector.shape_cast %swap3A_119 : vector<16xi32> to vector<16xi32>
      %swap3A_121 = vector.shape_cast %select_n3A_117 : vector<16xi32> to vector<16xi32>
      tpu.vector_store %arg5[%swap3A_118], %swap3A_121 {strides = array<i32>} : memref<25600xi32, #tpu.memory_space<vmem>>, vector<16xi32>,
      %scan3A_122 = arith.constant 3 : i32
      %scan3A_123 = arith.addi %scan3A_75, %scan3A_122 : i32
      %mul3A_124 = arith.constant 16 : i32
      %mul3A_125 = arith.muli %scan3A_123, %mul3A_124 : i32
      %multiple_of3A_126 = tpu.assume_multiple %mul3A_125, 8 : i32
      %get3A_127 = arith.index_cast %multiple_of3A_126 : i32 to index
      %get3A_128 = tpu.vector_load %arg5[%get3A_127] {strides = array<i32>} : memref<25600xi32, #tpu.memory_space<vmem>>, vector<16xi32>,
      %get3A_129 = vector.shape_cast %get3A_128 : vector<16xi32> to vector<16xi32>
      %lt3A_130 = arith.constant 0 : i32
      %lt3A_131 = vector.broadcast %lt3A_130 : i32 to vector<16xi32>
      %lt3A_132 = arith.cmpi slt, %get3A_129, %lt3A_131 : vector<16xi32>
      %jit3A_133 = arith.constant 1000 : i32
      %broadcast_in_dim3A_134 = vector.broadcast %jit3A_133 : i32 to vector<16xi32>
      %select_n3A_135 = arith.select %lt3A_132, %broadcast_in_dim3A_134, %get3A_129 : vector<16xi1>, vector<16xi32>
      %swap3A_136 = arith.index_cast %multiple_of3A_126 : i32 to index
      %swap3A_137 = tpu.vector_load %arg5[%swap3A_136] {strides = array<i32>} : memref<25600xi32, #tpu.memory_space<vmem>>, vector<16xi32>,
      %swap3A_138 = vector.shape_cast %swap3A_137 : vector<16xi32> to vector<16xi32>
      %swap3A_139 = vector.shape_cast %select_n3A_135 : vector<16xi32> to vector<16xi32>
      tpu.vector_store %arg5[%swap3A_136], %swap3A_139 {strides = array<i32>} : memref<25600xi32, #tpu.memory_space<vmem>>, vector<16xi32>,
      %scan3A_140 = arith.constant 4 : i32
      %scan3A_141 = arith.addi %scan3A_75, %scan3A_140 : i32
      %mul3A_142 = arith.constant 16 : i32
      %mul3A_143 = arith.muli %scan3A_141, %mul3A_142 : i32
      %multiple_of3A_144 = tpu.assume_multiple %mul3A_143, 8 : i32
      %get3A_145 = arith.index_cast %multiple_of3A_144 : i32 to index
      %get3A_146 = tpu.vector_load %arg5[%get3A_145] {strides = array<i32>} : memref<25600xi32, #tpu.memory_space<vmem>>, vector<16xi32>,
      %get3A_147 = vector.shape_cast %get3A_146 : vector<16xi32> to vector<16xi32>
      %lt3A_148 = arith.constant 0 : i32
      %lt3A_149 = vector.broadcast %lt3A_148 : i32 to vector<16xi32>
      %lt3A_150 = arith.cmpi slt, %get3A_147, %lt3A_149 : vector<16xi32>
      %jit3A_151 = arith.constant 1000 : i32
      %broadcast_in_dim3A_152 = vector.broadcast %jit3A_151 : i32 to vector<16xi32>
      %select_n3A_153 = arith.select %lt3A_150, %broadcast_in_dim3A_152, %get3A_147 : vector<16xi1>, vector<16xi32>
      %swap3A_154 = arith.index_cast %multiple_of3A_144 : i32 to index
      %swap3A_155 = tpu.vector_load %arg5[%swap3A_154] {strides = array<i32>} : memref<25600xi32, #tpu.memory_space<vmem>>, vector<16xi32>,
      %swap3A_156 = vector.shape_cast %swap3A_155 : vector<16xi32> to vector<16xi32>
      %swap3A_157 = vector.shape_cast %select_n3A_153 : vector<16xi32> to vector<16xi32>
      tpu.vector_store %arg5[%swap3A_154], %swap3A_157 {strides = array<i32>} : memref<25600xi32, #tpu.memory_space<vmem>>, vector<16xi32>,
      %scan3A_158 = arith.constant 5 : i32
      %scan3A_159 = arith.addi %scan3A_75, %scan3A_158 : i32
      %mul3A_160 = arith.constant 16 : i32
      %mul3A_161 = arith.muli %scan3A_159, %mul3A_160 : i32
      %multiple_of3A_162 = tpu.assume_multiple %mul3A_161, 8 : i32
      %get3A_163 = arith.index_cast %multiple_of3A_162 : i32 to index
      %get3A_164 = tpu.vector_load %arg5[%get3A_163] {strides = array<i32>} : memref<25600xi32, #tpu.memory_space<vmem>>, vector<16xi32>,
      %get3A_165 = vector.shape_cast %get3A_164 : vector<16xi32> to vector<16xi32>
      %lt3A_166 = arith.constant 0 : i32
      %lt3A_167 = vector.broadcast %lt3A_166 : i32 to vector<16xi32>
      %lt3A_168 = arith.cmpi slt, %get3A_165, %lt3A_167 : vector<16xi32>
      %jit3A_169 = arith.constant 1000 : i32
      %broadcast_in_dim3A_170 = vector.broadcast %jit3A_169 : i32 to vector<16xi32>
      %select_n3A_171 = arith.select %lt3A_168, %broadcast_in_dim3A_170, %get3A_165 : vector<16xi1>, vector<16xi32>
      %swap3A_172 = arith.index_cast %multiple_of3A_162 : i32 to index
      %swap3A_173 = tpu.vector_load %arg5[%swap3A_172] {strides = array<i32>} : memref<25600xi32, #tpu.memory_space<vmem>>, vector<16xi32>,
      %swap3A_174 = vector.shape_cast %swap3A_173 : vector<16xi32> to vector<16xi32>
      %swap3A_175 = vector.shape_cast %select_n3A_171 : vector<16xi32> to vector<16xi32>
      tpu.vector_store %arg5[%swap3A_172], %swap3A_175 {strides = array<i32>} : memref<25600xi32, #tpu.memory_space<vmem>>, vector<16xi32>,
      %scan3A_176 = arith.constant 6 : i32
      %scan3A_177 = arith.addi %scan3A_75, %scan3A_176 : i32
      %mul3A_178 = arith.constant 16 : i32
      %mul3A_179 = arith.muli %scan3A_177, %mul3A_178 : i32
      %multiple_of3A_180 = tpu.assume_multiple %mul3A_179, 8 : i32
      %get3A_181 = arith.index_cast %multiple_of3A_180 : i32 to index
      %get3A_182 = tpu.vector_load %arg5[%get3A_181] {strides = array<i32>} : memref<25600xi32, #tpu.memory_space<vmem>>, vector<16xi32>,
      %get3A_183 = vector.shape_cast %get3A_182 : vector<16xi32> to vector<16xi32>
      %lt3A_184 = arith.constant 0 : i32
      %lt3A_185 = vector.broadcast %lt3A_184 : i32 to vector<16xi32>
      %lt3A_186 = arith.cmpi slt, %get3A_183, %lt3A_185 : vector<16xi32>
      %jit3A_187 = arith.constant 1000 : i32
      %broadcast_in_dim3A_188 = vector.broadcast %jit3A_187 : i32 to vector<16xi32>
      %select_n3A_189 = arith.select %lt3A_186, %broadcast_in_dim3A_188, %get3A_183 : vector<16xi1>, vector<16xi32>
      %swap3A_190 = arith.index_cast %multiple_of3A_180 : i32 to index
      %swap3A_191 = tpu.vector_load %arg5[%swap3A_190] {strides = array<i32>} : memref<25600xi32, #tpu.memory_space<vmem>>, vector<16xi32>,
      %swap3A_192 = vector.shape_cast %swap3A_191 : vector<16xi32> to vector<16xi32>
      %swap3A_193 = vector.shape_cast %select_n3A_189 : vector<16xi32> to vector<16xi32>
      tpu.vector_store %arg5[%swap3A_190], %swap3A_193 {strides = array<i32>} : memref<25600xi32, #tpu.memory_space<vmem>>, vector<16xi32>,
      %scan3A_194 = arith.constant 7 : i32
      %scan3A_195 = arith.addi %scan3A_75, %scan3A_194 : i32
      %mul3A_196 = arith.constant 16 : i32
      %mul3A_197 = arith.muli %scan3A_195, %mul3A_196 : i32
      %multiple_of3A_198 = tpu.assume_multiple %mul3A_197, 8 : i32
      %get3A_199 = arith.index_cast %multiple_of3A_198 : i32 to index
      %get3A_200 = tpu.vector_load %arg5[%get3A_199] {strides = array<i32>} : memref<25600xi32, #tpu.memory_space<vmem>>, vector<16xi32>,
      %get3A_201 = vector.shape_cast %get3A_200 : vector<16xi32> to vector<16xi32>
      %lt3A_202 = arith.constant 0 : i32
      %lt3A_203 = vector.broadcast %lt3A_202 : i32 to vector<16xi32>
      %lt3A_204 = arith.cmpi slt, %get3A_201, %lt3A_203 : vector<16xi32>
      %jit3A_205 = arith.constant 1000 : i32
      %broadcast_in_dim3A_206 = vector.broadcast %jit3A_205 : i32 to vector<16xi32>
      %select_n3A_207 = arith.select %lt3A_204, %broadcast_in_dim3A_206, %get3A_201 : vector<16xi1>, vector<16xi32>
      %swap3A_208 = arith.index_cast %multiple_of3A_198 : i32 to index
      %swap3A_209 = tpu.vector_load %arg5[%swap3A_208] {strides = array<i32>} : memref<25600xi32, #tpu.memory_space<vmem>>, vector<16xi32>,
      %swap3A_210 = vector.shape_cast %swap3A_209 : vector<16xi32> to vector<16xi32>
      %swap3A_211 = vector.shape_cast %select_n3A_207 : vector<16xi32> to vector<16xi32>
      tpu.vector_store %arg5[%swap3A_208], %swap3A_211 {strides = array<i32>} : memref<25600xi32, #tpu.memory_space<vmem>>, vector<16xi32>,
    }
    %scan3A_9 = arith.constant 1600 : i32
    %barrier3A = arith.constant 0 : index
    tpu.barrier barrier_id(%barrier3A)
    %multiple_of3A = arith.constant 0 : i32
    %multiple_of3A_10 = tpu.assume_multiple %multiple_of3A, 8 : i32
    %dma_start3A = tpu.memref_slice %arg5[%multiple_of3A_10] : memref<25600xi32, #tpu.memory_space<vmem>> -> memref<64xi32, #tpu.memory_space<vmem>>
    %dma_start3A_11 = arith.constant 0 : i32
    %dma_start3A_12 = arith.constant 0 : i32
    %dma_start3A_13 = tpu.memref_slice %arg14[%dma_start3A_11, %dma_start3A_12] : memref<1001x128xf32, #tpu.memory_space<vmem_shared>> -> memref<1001x128xf32, #tpu.memory_space<vmem_shared>>
    tpu.enqueue_indirect_dma source(%dma_start3A_13 : memref<1001x128xf32, #tpu.memory_space<vmem_shared>>) target(%arg6 : memref<64x128xf32, #tpu.memory_space<vmem>>) offsets(%dma_start3A : memref<64xi32, #tpu.memory_space<vmem>>) semaphore(%arg15 : memref<!tpu.dma_semaphore, #tpu.memory_space<semaphore_mem>>)
    %scan3A_14 = arith.constant 0 : i32
    %scan3A_15 = arith.constant 0 : i32
    %scan3A_16 = arith.constant 50 : i32
    %scan3A_17 = arith.addi %scan3A_15, %scan3A_16 : i32
    %scan3A_18 = arith.constant 1 : i32
    scf.for %scan3A_75 = %scan3A_15 to %scan3A_17 step %scan3A_18  : i32 {
      %mul3A_76 = arith.constant 8 : i32
      %mul3A_77 = arith.muli %scan3A_75, %mul3A_76 : i32
      %add3A_78 = arith.constant 0 : i32
      %add3A_79 = arith.addi %mul3A_77, %add3A_78 : i32
      %add3A_80 = arith.constant 1 : i32
      %add3A_81 = arith.addi %add3A_79, %add3A_80 : i32
      %lt3A = arith.constant 400 : i32
      %lt3A_82 = arith.cmpi slt, %add3A_81, %lt3A : i32
      %convert_element_type3A_83 = arith.extui %lt3A_82 : i1 to i32
      %cond3A_84 = arith.constant 0 : i32
      %cond3A_85 = arith.cmpi ne, %convert_element_type3A_83, %cond3A_84 : i32
      scf.if %cond3A_85 {
        %sub3A = arith.constant 7 : i32
        %sub3A_269 = arith.subi %add3A_79, %sub3A : i32
        %ge3A = arith.constant 0 : i32
        %ge3A_270 = arith.cmpi sge, %sub3A_269, %ge3A : i32
        %convert_element_type3A_271 = arith.extui %ge3A_270 : i1 to i32
        %cond3A_272 = arith.constant 0 : i32
        %cond3A_273 = arith.cmpi ne, %convert_element_type3A_271, %cond3A_272 : i32
        scf.if %cond3A_273 {
          %sub3A_283 = arith.constant 7 : i32
          %sub3A_284 = arith.subi %add3A_79, %sub3A_283 : i32
          %mul3A_285 = arith.constant 64 : i32
          %mul3A_286 = arith.muli %sub3A_284, %mul3A_285 : i32
          %add3A_287 = arith.addi %mul3A_2, %mul3A_286 : i32
          %multiple_of3A_288 = tpu.assume_multiple %add3A_287, 8 : i32
          %dma_wait3A_289 = arith.constant 0 : i32
          %dma_wait3A_290 = tpu.memref_slice %arg4[%multiple_of3A_288, %dma_wait3A_289] : memref<819200x128xf32, #tpu.memory_space<hbm>> -> memref<64x128xf32, #tpu.memory_space<hbm>>
          %dma_wait3A_291 = arith.constant 0 : i32
          %dma_wait3A_292 = tpu.memref_slice %arg4[%multiple_of3A_288, %dma_wait3A_291] : memref<819200x128xf32, #tpu.memory_space<hbm>> -> memref<64x128xf32, #tpu.memory_space<hbm>>
          tpu.wait_dma2 semaphore(%arg24 : memref<!tpu.dma_semaphore, #tpu.memory_space<semaphore_mem>>) src(%arg7 : memref<64x128xf32, #tpu.memory_space<vmem>>) dst(%dma_wait3A_292 : memref<64x128xf32, #tpu.memory_space<hbm>>)
        } else {
        }
        %add3A_274 = arith.constant 1 : i32
        %add3A_275 = arith.addi %add3A_79, %add3A_274 : i32
        %mul3A_276 = arith.constant 64 : i32
        %mul3A_277 = arith.muli %add3A_275, %mul3A_276 : i32
        %multiple_of3A_278 = tpu.assume_multiple %mul3A_277, 8 : i32
        %dma_start3A_279 = tpu.memref_slice %arg5[%multiple_of3A_278] : memref<25600xi32, #tpu.memory_space<vmem>> -> memref<64xi32, #tpu.memory_space<vmem>>
        %dma_start3A_280 = arith.constant 0 : i32
        %dma_start3A_281 = arith.constant 0 : i32
        %dma_start3A_282 = tpu.memref_slice %arg14[%dma_start3A_280, %dma_start3A_281] : memref<1001x128xf32, #tpu.memory_space<vmem_shared>> -> memref<1001x128xf32, #tpu.memory_space<vmem_shared>>
        tpu.enqueue_indirect_dma source(%dma_start3A_282 : memref<1001x128xf32, #tpu.memory_space<vmem_shared>>) target(%arg7 : memref<64x128xf32, #tpu.memory_space<vmem>>) offsets(%dma_start3A_279 : memref<64xi32, #tpu.memory_space<vmem>>) semaphore(%arg16 : memref<!tpu.dma_semaphore, #tpu.memory_space<semaphore_mem>>)
      } else {
      }
      %mul3A_86 = arith.constant 64 : i32
      %mul3A_87 = arith.muli %add3A_79, %mul3A_86 : i32
      %multiple_of3A_88 = tpu.assume_multiple %mul3A_87, 8 : i32
      %dma_wait3A_89 = tpu.memref_slice %arg5[%multiple_of3A_88] : memref<25600xi32, #tpu.memory_space<vmem>> -> memref<64xi32, #tpu.memory_space<vmem>>
      %dma_wait3A_90 = arith.constant 0 : i32
      %dma_wait3A_91 = arith.constant 0 : i32
      %dma_wait3A_92 = tpu.memref_slice %arg14[%dma_wait3A_90, %dma_wait3A_91] : memref<1001x128xf32, #tpu.memory_space<vmem_shared>> -> memref<1001x128xf32, #tpu.memory_space<vmem_shared>>
      tpu.wait_indirect_dma semaphore(%arg15 : memref<!tpu.dma_semaphore, #tpu.memory_space<semaphore_mem>>) src(%dma_wait3A_92 : memref<1001x128xf32, #tpu.memory_space<vmem_shared>>) dst(%arg6 : memref<64x128xf32, #tpu.memory_space<vmem>>)
      %mul3A_93 = arith.constant 64 : i32
      %mul3A_94 = arith.muli %add3A_79, %mul3A_93 : i32
      %add3A_95 = arith.addi %mul3A_2, %mul3A_94 : i32
      %multiple_of3A_96 = tpu.assume_multiple %add3A_95, 8 : i32
      %dma_start3A_97 = arith.constant 0 : i32
      %dma_start3A_98 = tpu.memref_slice %arg4[%multiple_of3A_96, %dma_start3A_97] : memref<819200x128xf32, #tpu.memory_space<hbm>> -> memref<64x128xf32, #tpu.memory_space<hbm>>
      %dma_start3A_99 = arith.constant 0 : i32
      %dma_start3A_100 = tpu.memref_slice %arg4[%multiple_of3A_96, %dma_start3A_99] : memref<819200x128xf32, #tpu.memory_space<hbm>> -> memref<64x128xf32, #tpu.memory_space<hbm>>
      tpu.enqueue_dma source(%arg6 : memref<64x128xf32, #tpu.memory_space<vmem>>) target(%dma_start3A_100 : memref<64x128xf32, #tpu.memory_space<hbm>>) target_semaphore(%arg23 : memref<!tpu.dma_semaphore, #tpu.memory_space<semaphore_mem>>)
      %add3A_101 = arith.constant 1 : i32
      %add3A_102 = arith.addi %mul3A_77, %add3A_101 : i32
      %add3A_103 = arith.constant 1 : i32
      %add3A_104 = arith.addi %add3A_102, %add3A_103 : i32
      %lt3A_105 = arith.constant 400 : i32
      %lt3A_106 = arith.cmpi slt, %add3A_104, %lt3A_105 : i32
      %convert_element_type3A_107 = arith.extui %lt3A_106 : i1 to i32
      %cond3A_108 = arith.constant 0 : i32
      %cond3A_109 = arith.cmpi ne, %convert_element_type3A_107, %cond3A_108 : i32
      scf.if %cond3A_109 {
        %sub3A = arith.constant 7 : i32
        %sub3A_269 = arith.subi %add3A_102, %sub3A : i32
        %ge3A = arith.constant 0 : i32
        %ge3A_270 = arith.cmpi sge, %sub3A_269, %ge3A : i32
        %convert_element_type3A_271 = arith.extui %ge3A_270 : i1 to i32
        %cond3A_272 = arith.constant 0 : i32
        %cond3A_273 = arith.cmpi ne, %convert_element_type3A_271, %cond3A_272 : i32
        scf.if %cond3A_273 {
          %sub3A_283 = arith.constant 7 : i32
          %sub3A_284 = arith.subi %add3A_102, %sub3A_283 : i32
          %mul3A_285 = arith.constant 64 : i32
          %mul3A_286 = arith.muli %sub3A_284, %mul3A_285 : i32
          %add3A_287 = arith.addi %mul3A_2, %mul3A_286 : i32
          %multiple_of3A_288 = tpu.assume_multiple %add3A_287, 8 : i32
          %dma_wait3A_289 = arith.constant 0 : i32
          %dma_wait3A_290 = tpu.memref_slice %arg4[%multiple_of3A_288, %dma_wait3A_289] : memref<819200x128xf32, #tpu.memory_space<hbm>> -> memref<64x128xf32, #tpu.memory_space<hbm>>
          %dma_wait3A_291 = arith.constant 0 : i32
          %dma_wait3A_292 = tpu.memref_slice %arg4[%multiple_of3A_288, %dma_wait3A_291] : memref<819200x128xf32, #tpu.memory_space<hbm>> -> memref<64x128xf32, #tpu.memory_space<hbm>>
          tpu.wait_dma2 semaphore(%arg25 : memref<!tpu.dma_semaphore, #tpu.memory_space<semaphore_mem>>) src(%arg8 : memref<64x128xf32, #tpu.memory_space<vmem>>) dst(%dma_wait3A_292 : memref<64x128xf32, #tpu.memory_space<hbm>>)
        } else {
        }
        %add3A_274 = arith.constant 1 : i32
        %add3A_275 = arith.addi %add3A_102, %add3A_274 : i32
        %mul3A_276 = arith.constant 64 : i32
        %mul3A_277 = arith.muli %add3A_275, %mul3A_276 : i32
        %multiple_of3A_278 = tpu.assume_multiple %mul3A_277, 8 : i32
        %dma_start3A_279 = tpu.memref_slice %arg5[%multiple_of3A_278] : memref<25600xi32, #tpu.memory_space<vmem>> -> memref<64xi32, #tpu.memory_space<vmem>>
        %dma_start3A_280 = arith.constant 0 : i32
        %dma_start3A_281 = arith.constant 0 : i32
        %dma_start3A_282 = tpu.memref_slice %arg14[%dma_start3A_280, %dma_start3A_281] : memref<1001x128xf32, #tpu.memory_space<vmem_shared>> -> memref<1001x128xf32, #tpu.memory_space<vmem_shared>>
        tpu.enqueue_indirect_dma source(%dma_start3A_282 : memref<1001x128xf32, #tpu.memory_space<vmem_shared>>) target(%arg8 : memref<64x128xf32, #tpu.memory_space<vmem>>) offsets(%dma_start3A_279 : memref<64xi32, #tpu.memory_space<vmem>>) semaphore(%arg17 : memref<!tpu.dma_semaphore, #tpu.memory_space<semaphore_mem>>)
      } else {
      }
      %mul3A_110 = arith.constant 64 : i32
      %mul3A_111 = arith.muli %add3A_102, %mul3A_110 : i32
      %multiple_of3A_112 = tpu.assume_multiple %mul3A_111, 8 : i32
      %dma_wait3A_113 = tpu.memref_slice %arg5[%multiple_of3A_112] : memref<25600xi32, #tpu.memory_space<vmem>> -> memref<64xi32, #tpu.memory_space<vmem>>
      %dma_wait3A_114 = arith.constant 0 : i32
      %dma_wait3A_115 = arith.constant 0 : i32
      %dma_wait3A_116 = tpu.memref_slice %arg14[%dma_wait3A_114, %dma_wait3A_115] : memref<1001x128xf32, #tpu.memory_space<vmem_shared>> -> memref<1001x128xf32, #tpu.memory_space<vmem_shared>>
      tpu.wait_indirect_dma semaphore(%arg16 : memref<!tpu.dma_semaphore, #tpu.memory_space<semaphore_mem>>) src(%dma_wait3A_116 : memref<1001x128xf32, #tpu.memory_space<vmem_shared>>) dst(%arg7 : memref<64x128xf32, #tpu.memory_space<vmem>>)
      %mul3A_117 = arith.constant 64 : i32
      %mul3A_118 = arith.muli %add3A_102, %mul3A_117 : i32
      %add3A_119 = arith.addi %mul3A_2, %mul3A_118 : i32
      %multiple_of3A_120 = tpu.assume_multiple %add3A_119, 8 : i32
      %dma_start3A_121 = arith.constant 0 : i32
      %dma_start3A_122 = tpu.memref_slice %arg4[%multiple_of3A_120, %dma_start3A_121] : memref<819200x128xf32, #tpu.memory_space<hbm>> -> memref<64x128xf32, #tpu.memory_space<hbm>>
      %dma_start3A_123 = arith.constant 0 : i32
      %dma_start3A_124 = tpu.memref_slice %arg4[%multiple_of3A_120, %dma_start3A_123] : memref<819200x128xf32, #tpu.memory_space<hbm>> -> memref<64x128xf32, #tpu.memory_space<hbm>>
      tpu.enqueue_dma source(%arg7 : memref<64x128xf32, #tpu.memory_space<vmem>>) target(%dma_start3A_124 : memref<64x128xf32, #tpu.memory_space<hbm>>) target_semaphore(%arg24 : memref<!tpu.dma_semaphore, #tpu.memory_space<semaphore_mem>>)
      %add3A_125 = arith.constant 2 : i32
      %add3A_126 = arith.addi %mul3A_77, %add3A_125 : i32
      %add3A_127 = arith.constant 1 : i32
      %add3A_128 = arith.addi %add3A_126, %add3A_127 : i32
      %lt3A_129 = arith.constant 400 : i32
      %lt3A_130 = arith.cmpi slt, %add3A_128, %lt3A_129 : i32
      %convert_element_type3A_131 = arith.extui %lt3A_130 : i1 to i32
      %cond3A_132 = arith.constant 0 : i32
      %cond3A_133 = arith.cmpi ne, %convert_element_type3A_131, %cond3A_132 : i32
      scf.if %cond3A_133 {
        %sub3A = arith.constant 7 : i32
        %sub3A_269 = arith.subi %add3A_126, %sub3A : i32
        %ge3A = arith.constant 0 : i32
        %ge3A_270 = arith.cmpi sge, %sub3A_269, %ge3A : i32
        %convert_element_type3A_271 = arith.extui %ge3A_270 : i1 to i32
        %cond3A_272 = arith.constant 0 : i32
        %cond3A_273 = arith.cmpi ne, %convert_element_type3A_271, %cond3A_272 : i32
        scf.if %cond3A_273 {
          %sub3A_283 = arith.constant 7 : i32
          %sub3A_284 = arith.subi %add3A_126, %sub3A_283 : i32
          %mul3A_285 = arith.constant 64 : i32
          %mul3A_286 = arith.muli %sub3A_284, %mul3A_285 : i32
          %add3A_287 = arith.addi %mul3A_2, %mul3A_286 : i32
          %multiple_of3A_288 = tpu.assume_multiple %add3A_287, 8 : i32
          %dma_wait3A_289 = arith.constant 0 : i32
          %dma_wait3A_290 = tpu.memref_slice %arg4[%multiple_of3A_288, %dma_wait3A_289] : memref<819200x128xf32, #tpu.memory_space<hbm>> -> memref<64x128xf32, #tpu.memory_space<hbm>>
          %dma_wait3A_291 = arith.constant 0 : i32
          %dma_wait3A_292 = tpu.memref_slice %arg4[%multiple_of3A_288, %dma_wait3A_291] : memref<819200x128xf32, #tpu.memory_space<hbm>> -> memref<64x128xf32, #tpu.memory_space<hbm>>
          tpu.wait_dma2 semaphore(%arg26 : memref<!tpu.dma_semaphore, #tpu.memory_space<semaphore_mem>>) src(%arg9 : memref<64x128xf32, #tpu.memory_space<vmem>>) dst(%dma_wait3A_292 : memref<64x128xf32, #tpu.memory_space<hbm>>)
        } else {
        }
        %add3A_274 = arith.constant 1 : i32
        %add3A_275 = arith.addi %add3A_126, %add3A_274 : i32
        %mul3A_276 = arith.constant 64 : i32
        %mul3A_277 = arith.muli %add3A_275, %mul3A_276 : i32
        %multiple_of3A_278 = tpu.assume_multiple %mul3A_277, 8 : i32
        %dma_start3A_279 = tpu.memref_slice %arg5[%multiple_of3A_278] : memref<25600xi32, #tpu.memory_space<vmem>> -> memref<64xi32, #tpu.memory_space<vmem>>
        %dma_start3A_280 = arith.constant 0 : i32
        %dma_start3A_281 = arith.constant 0 : i32
        %dma_start3A_282 = tpu.memref_slice %arg14[%dma_start3A_280, %dma_start3A_281] : memref<1001x128xf32, #tpu.memory_space<vmem_shared>> -> memref<1001x128xf32, #tpu.memory_space<vmem_shared>>
        tpu.enqueue_indirect_dma source(%dma_start3A_282 : memref<1001x128xf32, #tpu.memory_space<vmem_shared>>) target(%arg9 : memref<64x128xf32, #tpu.memory_space<vmem>>) offsets(%dma_start3A_279 : memref<64xi32, #tpu.memory_space<vmem>>) semaphore(%arg18 : memref<!tpu.dma_semaphore, #tpu.memory_space<semaphore_mem>>)
      } else {
      }
      %mul3A_134 = arith.constant 64 : i32
      %mul3A_135 = arith.muli %add3A_126, %mul3A_134 : i32
      %multiple_of3A_136 = tpu.assume_multiple %mul3A_135, 8 : i32
      %dma_wait3A_137 = tpu.memref_slice %arg5[%multiple_of3A_136] : memref<25600xi32, #tpu.memory_space<vmem>> -> memref<64xi32, #tpu.memory_space<vmem>>
      %dma_wait3A_138 = arith.constant 0 : i32
      %dma_wait3A_139 = arith.constant 0 : i32
      %dma_wait3A_140 = tpu.memref_slice %arg14[%dma_wait3A_138, %dma_wait3A_139] : memref<1001x128xf32, #tpu.memory_space<vmem_shared>> -> memref<1001x128xf32, #tpu.memory_space<vmem_shared>>
      tpu.wait_indirect_dma semaphore(%arg17 : memref<!tpu.dma_semaphore, #tpu.memory_space<semaphore_mem>>) src(%dma_wait3A_140 : memref<1001x128xf32, #tpu.memory_space<vmem_shared>>) dst(%arg8 : memref<64x128xf32, #tpu.memory_space<vmem>>)
      %mul3A_141 = arith.constant 64 : i32
      %mul3A_142 = arith.muli %add3A_126, %mul3A_141 : i32
      %add3A_143 = arith.addi %mul3A_2, %mul3A_142 : i32
      %multiple_of3A_144 = tpu.assume_multiple %add3A_143, 8 : i32
      %dma_start3A_145 = arith.constant 0 : i32
      %dma_start3A_146 = tpu.memref_slice %arg4[%multiple_of3A_144, %dma_start3A_145] : memref<819200x128xf32, #tpu.memory_space<hbm>> -> memref<64x128xf32, #tpu.memory_space<hbm>>
      %dma_start3A_147 = arith.constant 0 : i32
      %dma_start3A_148 = tpu.memref_slice %arg4[%multiple_of3A_144, %dma_start3A_147] : memref<819200x128xf32, #tpu.memory_space<hbm>> -> memref<64x128xf32, #tpu.memory_space<hbm>>
      tpu.enqueue_dma source(%arg8 : memref<64x128xf32, #tpu.memory_space<vmem>>) target(%dma_start3A_148 : memref<64x128xf32, #tpu.memory_space<hbm>>) target_semaphore(%arg25 : memref<!tpu.dma_semaphore, #tpu.memory_space<semaphore_mem>>)
      %add3A_149 = arith.constant 3 : i32
      %add3A_150 = arith.addi %mul3A_77, %add3A_149 : i32
      %add3A_151 = arith.constant 1 : i32
      %add3A_152 = arith.addi %add3A_150, %add3A_151 : i32
      %lt3A_153 = arith.constant 400 : i32
      %lt3A_154 = arith.cmpi slt, %add3A_152, %lt3A_153 : i32
      %convert_element_type3A_155 = arith.extui %lt3A_154 : i1 to i32
      %cond3A_156 = arith.constant 0 : i32
      %cond3A_157 = arith.cmpi ne, %convert_element_type3A_155, %cond3A_156 : i32
      scf.if %cond3A_157 {
        %sub3A = arith.constant 7 : i32
        %sub3A_269 = arith.subi %add3A_150, %sub3A : i32
        %ge3A = arith.constant 0 : i32
        %ge3A_270 = arith.cmpi sge, %sub3A_269, %ge3A : i32
        %convert_element_type3A_271 = arith.extui %ge3A_270 : i1 to i32
        %cond3A_272 = arith.constant 0 : i32
        %cond3A_273 = arith.cmpi ne, %convert_element_type3A_271, %cond3A_272 : i32
        scf.if %cond3A_273 {
          %sub3A_283 = arith.constant 7 : i32
          %sub3A_284 = arith.subi %add3A_150, %sub3A_283 : i32
          %mul3A_285 = arith.constant 64 : i32
          %mul3A_286 = arith.muli %sub3A_284, %mul3A_285 : i32
          %add3A_287 = arith.addi %mul3A_2, %mul3A_286 : i32
          %multiple_of3A_288 = tpu.assume_multiple %add3A_287, 8 : i32
          %dma_wait3A_289 = arith.constant 0 : i32
          %dma_wait3A_290 = tpu.memref_slice %arg4[%multiple_of3A_288, %dma_wait3A_289] : memref<819200x128xf32, #tpu.memory_space<hbm>> -> memref<64x128xf32, #tpu.memory_space<hbm>>
          %dma_wait3A_291 = arith.constant 0 : i32
          %dma_wait3A_292 = tpu.memref_slice %arg4[%multiple_of3A_288, %dma_wait3A_291] : memref<819200x128xf32, #tpu.memory_space<hbm>> -> memref<64x128xf32, #tpu.memory_space<hbm>>
          tpu.wait_dma2 semaphore(%arg27 : memref<!tpu.dma_semaphore, #tpu.memory_space<semaphore_mem>>) src(%arg10 : memref<64x128xf32, #tpu.memory_space<vmem>>) dst(%dma_wait3A_292 : memref<64x128xf32, #tpu.memory_space<hbm>>)
        } else {
        }
        %add3A_274 = arith.constant 1 : i32
        %add3A_275 = arith.addi %add3A_150, %add3A_274 : i32
        %mul3A_276 = arith.constant 64 : i32
        %mul3A_277 = arith.muli %add3A_275, %mul3A_276 : i32
        %multiple_of3A_278 = tpu.assume_multiple %mul3A_277, 8 : i32
        %dma_start3A_279 = tpu.memref_slice %arg5[%multiple_of3A_278] : memref<25600xi32, #tpu.memory_space<vmem>> -> memref<64xi32, #tpu.memory_space<vmem>>
        %dma_start3A_280 = arith.constant 0 : i32
        %dma_start3A_281 = arith.constant 0 : i32
        %dma_start3A_282 = tpu.memref_slice %arg14[%dma_start3A_280, %dma_start3A_281] : memref<1001x128xf32, #tpu.memory_space<vmem_shared>> -> memref<1001x128xf32, #tpu.memory_space<vmem_shared>>
        tpu.enqueue_indirect_dma source(%dma_start3A_282 : memref<1001x128xf32, #tpu.memory_space<vmem_shared>>) target(%arg10 : memref<64x128xf32, #tpu.memory_space<vmem>>) offsets(%dma_start3A_279 : memref<64xi32, #tpu.memory_space<vmem>>) semaphore(%arg19 : memref<!tpu.dma_semaphore, #tpu.memory_space<semaphore_mem>>)
      } else {
      }
      %mul3A_158 = arith.constant 64 : i32
      %mul3A_159 = arith.muli %add3A_150, %mul3A_158 : i32
      %multiple_of3A_160 = tpu.assume_multiple %mul3A_159, 8 : i32
      %dma_wait3A_161 = tpu.memref_slice %arg5[%multiple_of3A_160] : memref<25600xi32, #tpu.memory_space<vmem>> -> memref<64xi32, #tpu.memory_space<vmem>>
      %dma_wait3A_162 = arith.constant 0 : i32
      %dma_wait3A_163 = arith.constant 0 : i32
      %dma_wait3A_164 = tpu.memref_slice %arg14[%dma_wait3A_162, %dma_wait3A_163] : memref<1001x128xf32, #tpu.memory_space<vmem_shared>> -> memref<1001x128xf32, #tpu.memory_space<vmem_shared>>
      tpu.wait_indirect_dma semaphore(%arg18 : memref<!tpu.dma_semaphore, #tpu.memory_space<semaphore_mem>>) src(%dma_wait3A_164 : memref<1001x128xf32, #tpu.memory_space<vmem_shared>>) dst(%arg9 : memref<64x128xf32, #tpu.memory_space<vmem>>)
      %mul3A_165 = arith.constant 64 : i32
      %mul3A_166 = arith.muli %add3A_150, %mul3A_165 : i32
      %add3A_167 = arith.addi %mul3A_2, %mul3A_166 : i32
      %multiple_of3A_168 = tpu.assume_multiple %add3A_167, 8 : i32
      %dma_start3A_169 = arith.constant 0 : i32
      %dma_start3A_170 = tpu.memref_slice %arg4[%multiple_of3A_168, %dma_start3A_169] : memref<819200x128xf32, #tpu.memory_space<hbm>> -> memref<64x128xf32, #tpu.memory_space<hbm>>
      %dma_start3A_171 = arith.constant 0 : i32
      %dma_start3A_172 = tpu.memref_slice %arg4[%multiple_of3A_168, %dma_start3A_171] : memref<819200x128xf32, #tpu.memory_space<hbm>> -> memref<64x128xf32, #tpu.memory_space<hbm>>
      tpu.enqueue_dma source(%arg9 : memref<64x128xf32, #tpu.memory_space<vmem>>) target(%dma_start3A_172 : memref<64x128xf32, #tpu.memory_space<hbm>>) target_semaphore(%arg26 : memref<!tpu.dma_semaphore, #tpu.memory_space<semaphore_mem>>)
      %add3A_173 = arith.constant 4 : i32
      %add3A_174 = arith.addi %mul3A_77, %add3A_173 : i32
      %add3A_175 = arith.constant 1 : i32
      %add3A_176 = arith.addi %add3A_174, %add3A_175 : i32
      %lt3A_177 = arith.constant 400 : i32
      %lt3A_178 = arith.cmpi slt, %add3A_176, %lt3A_177 : i32
      %convert_element_type3A_179 = arith.extui %lt3A_178 : i1 to i32
      %cond3A_180 = arith.constant 0 : i32
      %cond3A_181 = arith.cmpi ne, %convert_element_type3A_179, %cond3A_180 : i32
      scf.if %cond3A_181 {
        %sub3A = arith.constant 7 : i32
        %sub3A_269 = arith.subi %add3A_174, %sub3A : i32
        %ge3A = arith.constant 0 : i32
        %ge3A_270 = arith.cmpi sge, %sub3A_269, %ge3A : i32
        %convert_element_type3A_271 = arith.extui %ge3A_270 : i1 to i32
        %cond3A_272 = arith.constant 0 : i32
        %cond3A_273 = arith.cmpi ne, %convert_element_type3A_271, %cond3A_272 : i32
        scf.if %cond3A_273 {
          %sub3A_283 = arith.constant 7 : i32
          %sub3A_284 = arith.subi %add3A_174, %sub3A_283 : i32
          %mul3A_285 = arith.constant 64 : i32
          %mul3A_286 = arith.muli %sub3A_284, %mul3A_285 : i32
          %add3A_287 = arith.addi %mul3A_2, %mul3A_286 : i32
          %multiple_of3A_288 = tpu.assume_multiple %add3A_287, 8 : i32
          %dma_wait3A_289 = arith.constant 0 : i32
          %dma_wait3A_290 = tpu.memref_slice %arg4[%multiple_of3A_288, %dma_wait3A_289] : memref<819200x128xf32, #tpu.memory_space<hbm>> -> memref<64x128xf32, #tpu.memory_space<hbm>>
          %dma_wait3A_291 = arith.constant 0 : i32
          %dma_wait3A_292 = tpu.memref_slice %arg4[%multiple_of3A_288, %dma_wait3A_291] : memref<819200x128xf32, #tpu.memory_space<hbm>> -> memref<64x128xf32, #tpu.memory_space<hbm>>
          tpu.wait_dma2 semaphore(%arg28 : memref<!tpu.dma_semaphore, #tpu.memory_space<semaphore_mem>>) src(%arg11 : memref<64x128xf32, #tpu.memory_space<vmem>>) dst(%dma_wait3A_292 : memref<64x128xf32, #tpu.memory_space<hbm>>)
        } else {
        }
        %add3A_274 = arith.constant 1 : i32
        %add3A_275 = arith.addi %add3A_174, %add3A_274 : i32
        %mul3A_276 = arith.constant 64 : i32
        %mul3A_277 = arith.muli %add3A_275, %mul3A_276 : i32
        %multiple_of3A_278 = tpu.assume_multiple %mul3A_277, 8 : i32
        %dma_start3A_279 = tpu.memref_slice %arg5[%multiple_of3A_278] : memref<25600xi32, #tpu.memory_space<vmem>> -> memref<64xi32, #tpu.memory_space<vmem>>
        %dma_start3A_280 = arith.constant 0 : i32
        %dma_start3A_281 = arith.constant 0 : i32
        %dma_start3A_282 = tpu.memref_slice %arg14[%dma_start3A_280, %dma_start3A_281] : memref<1001x128xf32, #tpu.memory_space<vmem_shared>> -> memref<1001x128xf32, #tpu.memory_space<vmem_shared>>
        tpu.enqueue_indirect_dma source(%dma_start3A_282 : memref<1001x128xf32, #tpu.memory_space<vmem_shared>>) target(%arg11 : memref<64x128xf32, #tpu.memory_space<vmem>>) offsets(%dma_start3A_279 : memref<64xi32, #tpu.memory_space<vmem>>) semaphore(%arg20 : memref<!tpu.dma_semaphore, #tpu.memory_space<semaphore_mem>>)
      } else {
      }
      %mul3A_182 = arith.constant 64 : i32
      %mul3A_183 = arith.muli %add3A_174, %mul3A_182 : i32
      %multiple_of3A_184 = tpu.assume_multiple %mul3A_183, 8 : i32
      %dma_wait3A_185 = tpu.memref_slice %arg5[%multiple_of3A_184] : memref<25600xi32, #tpu.memory_space<vmem>> -> memref<64xi32, #tpu.memory_space<vmem>>
      %dma_wait3A_186 = arith.constant 0 : i32
      %dma_wait3A_187 = arith.constant 0 : i32
      %dma_wait3A_188 = tpu.memref_slice %arg14[%dma_wait3A_186, %dma_wait3A_187] : memref<1001x128xf32, #tpu.memory_space<vmem_shared>> -> memref<1001x128xf32, #tpu.memory_space<vmem_shared>>
      tpu.wait_indirect_dma semaphore(%arg19 : memref<!tpu.dma_semaphore, #tpu.memory_space<semaphore_mem>>) src(%dma_wait3A_188 : memref<1001x128xf32, #tpu.memory_space<vmem_shared>>) dst(%arg10 : memref<64x128xf32, #tpu.memory_space<vmem>>)
      %mul3A_189 = arith.constant 64 : i32
      %mul3A_190 = arith.muli %add3A_174, %mul3A_189 : i32
      %add3A_191 = arith.addi %mul3A_2, %mul3A_190 : i32
      %multiple_of3A_192 = tpu.assume_multiple %add3A_191, 8 : i32
      %dma_start3A_193 = arith.constant 0 : i32
      %dma_start3A_194 = tpu.memref_slice %arg4[%multiple_of3A_192, %dma_start3A_193] : memref<819200x128xf32, #tpu.memory_space<hbm>> -> memref<64x128xf32, #tpu.memory_space<hbm>>
      %dma_start3A_195 = arith.constant 0 : i32
      %dma_start3A_196 = tpu.memref_slice %arg4[%multiple_of3A_192, %dma_start3A_195] : memref<819200x128xf32, #tpu.memory_space<hbm>> -> memref<64x128xf32, #tpu.memory_space<hbm>>
      tpu.enqueue_dma source(%arg10 : memref<64x128xf32, #tpu.memory_space<vmem>>) target(%dma_start3A_196 : memref<64x128xf32, #tpu.memory_space<hbm>>) target_semaphore(%arg27 : memref<!tpu.dma_semaphore, #tpu.memory_space<semaphore_mem>>)
      %add3A_197 = arith.constant 5 : i32
      %add3A_198 = arith.addi %mul3A_77, %add3A_197 : i32
      %add3A_199 = arith.constant 1 : i32
      %add3A_200 = arith.addi %add3A_198, %add3A_199 : i32
      %lt3A_201 = arith.constant 400 : i32
      %lt3A_202 = arith.cmpi slt, %add3A_200, %lt3A_201 : i32
      %convert_element_type3A_203 = arith.extui %lt3A_202 : i1 to i32
      %cond3A_204 = arith.constant 0 : i32
      %cond3A_205 = arith.cmpi ne, %convert_element_type3A_203, %cond3A_204 : i32
      scf.if %cond3A_205 {
        %sub3A = arith.constant 7 : i32
        %sub3A_269 = arith.subi %add3A_198, %sub3A : i32
        %ge3A = arith.constant 0 : i32
        %ge3A_270 = arith.cmpi sge, %sub3A_269, %ge3A : i32
        %convert_element_type3A_271 = arith.extui %ge3A_270 : i1 to i32
        %cond3A_272 = arith.constant 0 : i32
        %cond3A_273 = arith.cmpi ne, %convert_element_type3A_271, %cond3A_272 : i32
        scf.if %cond3A_273 {
          %sub3A_283 = arith.constant 7 : i32
          %sub3A_284 = arith.subi %add3A_198, %sub3A_283 : i32
          %mul3A_285 = arith.constant 64 : i32
          %mul3A_286 = arith.muli %sub3A_284, %mul3A_285 : i32
          %add3A_287 = arith.addi %mul3A_2, %mul3A_286 : i32
          %multiple_of3A_288 = tpu.assume_multiple %add3A_287, 8 : i32
          %dma_wait3A_289 = arith.constant 0 : i32
          %dma_wait3A_290 = tpu.memref_slice %arg4[%multiple_of3A_288, %dma_wait3A_289] : memref<819200x128xf32, #tpu.memory_space<hbm>> -> memref<64x128xf32, #tpu.memory_space<hbm>>
          %dma_wait3A_291 = arith.constant 0 : i32
          %dma_wait3A_292 = tpu.memref_slice %arg4[%multiple_of3A_288, %dma_wait3A_291] : memref<819200x128xf32, #tpu.memory_space<hbm>> -> memref<64x128xf32, #tpu.memory_space<hbm>>
          tpu.wait_dma2 semaphore(%arg29 : memref<!tpu.dma_semaphore, #tpu.memory_space<semaphore_mem>>) src(%arg12 : memref<64x128xf32, #tpu.memory_space<vmem>>) dst(%dma_wait3A_292 : memref<64x128xf32, #tpu.memory_space<hbm>>)
        } else {
        }
        %add3A_274 = arith.constant 1 : i32
        %add3A_275 = arith.addi %add3A_198, %add3A_274 : i32
        %mul3A_276 = arith.constant 64 : i32
        %mul3A_277 = arith.muli %add3A_275, %mul3A_276 : i32
        %multiple_of3A_278 = tpu.assume_multiple %mul3A_277, 8 : i32
        %dma_start3A_279 = tpu.memref_slice %arg5[%multiple_of3A_278] : memref<25600xi32, #tpu.memory_space<vmem>> -> memref<64xi32, #tpu.memory_space<vmem>>
        %dma_start3A_280 = arith.constant 0 : i32
        %dma_start3A_281 = arith.constant 0 : i32
        %dma_start3A_282 = tpu.memref_slice %arg14[%dma_start3A_280, %dma_start3A_281] : memref<1001x128xf32, #tpu.memory_space<vmem_shared>> -> memref<1001x128xf32, #tpu.memory_space<vmem_shared>>
        tpu.enqueue_indirect_dma source(%dma_start3A_282 : memref<1001x128xf32, #tpu.memory_space<vmem_shared>>) target(%arg12 : memref<64x128xf32, #tpu.memory_space<vmem>>) offsets(%dma_start3A_279 : memref<64xi32, #tpu.memory_space<vmem>>) semaphore(%arg21 : memref<!tpu.dma_semaphore, #tpu.memory_space<semaphore_mem>>)
      } else {
      }
      %mul3A_206 = arith.constant 64 : i32
      %mul3A_207 = arith.muli %add3A_198, %mul3A_206 : i32
      %multiple_of3A_208 = tpu.assume_multiple %mul3A_207, 8 : i32
      %dma_wait3A_209 = tpu.memref_slice %arg5[%multiple_of3A_208] : memref<25600xi32, #tpu.memory_space<vmem>> -> memref<64xi32, #tpu.memory_space<vmem>>
      %dma_wait3A_210 = arith.constant 0 : i32
      %dma_wait3A_211 = arith.constant 0 : i32
      %dma_wait3A_212 = tpu.memref_slice %arg14[%dma_wait3A_210, %dma_wait3A_211] : memref<1001x128xf32, #tpu.memory_space<vmem_shared>> -> memref<1001x128xf32, #tpu.memory_space<vmem_shared>>
      tpu.wait_indirect_dma semaphore(%arg20 : memref<!tpu.dma_semaphore, #tpu.memory_space<semaphore_mem>>) src(%dma_wait3A_212 : memref<1001x128xf32, #tpu.memory_space<vmem_shared>>) dst(%arg11 : memref<64x128xf32, #tpu.memory_space<vmem>>)
      %mul3A_213 = arith.constant 64 : i32
      %mul3A_214 = arith.muli %add3A_198, %mul3A_213 : i32
      %add3A_215 = arith.addi %mul3A_2, %mul3A_214 : i32
      %multiple_of3A_216 = tpu.assume_multiple %add3A_215, 8 : i32
      %dma_start3A_217 = arith.constant 0 : i32
      %dma_start3A_218 = tpu.memref_slice %arg4[%multiple_of3A_216, %dma_start3A_217] : memref<819200x128xf32, #tpu.memory_space<hbm>> -> memref<64x128xf32, #tpu.memory_space<hbm>>
      %dma_start3A_219 = arith.constant 0 : i32
      %dma_start3A_220 = tpu.memref_slice %arg4[%multiple_of3A_216, %dma_start3A_219] : memref<819200x128xf32, #tpu.memory_space<hbm>> -> memref<64x128xf32, #tpu.memory_space<hbm>>
      tpu.enqueue_dma source(%arg11 : memref<64x128xf32, #tpu.memory_space<vmem>>) target(%dma_start3A_220 : memref<64x128xf32, #tpu.memory_space<hbm>>) target_semaphore(%arg28 : memref<!tpu.dma_semaphore, #tpu.memory_space<semaphore_mem>>)
      %add3A_221 = arith.constant 6 : i32
      %add3A_222 = arith.addi %mul3A_77, %add3A_221 : i32
      %add3A_223 = arith.constant 1 : i32
      %add3A_224 = arith.addi %add3A_222, %add3A_223 : i32
      %lt3A_225 = arith.constant 400 : i32
      %lt3A_226 = arith.cmpi slt, %add3A_224, %lt3A_225 : i32
      %convert_element_type3A_227 = arith.extui %lt3A_226 : i1 to i32
      %cond3A_228 = arith.constant 0 : i32
      %cond3A_229 = arith.cmpi ne, %convert_element_type3A_227, %cond3A_228 : i32
      scf.if %cond3A_229 {
        %sub3A = arith.constant 7 : i32
        %sub3A_269 = arith.subi %add3A_222, %sub3A : i32
        %ge3A = arith.constant 0 : i32
        %ge3A_270 = arith.cmpi sge, %sub3A_269, %ge3A : i32
        %convert_element_type3A_271 = arith.extui %ge3A_270 : i1 to i32
        %cond3A_272 = arith.constant 0 : i32
        %cond3A_273 = arith.cmpi ne, %convert_element_type3A_271, %cond3A_272 : i32
        scf.if %cond3A_273 {
          %sub3A_283 = arith.constant 7 : i32
          %sub3A_284 = arith.subi %add3A_222, %sub3A_283 : i32
          %mul3A_285 = arith.constant 64 : i32
          %mul3A_286 = arith.muli %sub3A_284, %mul3A_285 : i32
          %add3A_287 = arith.addi %mul3A_2, %mul3A_286 : i32
          %multiple_of3A_288 = tpu.assume_multiple %add3A_287, 8 : i32
          %dma_wait3A_289 = arith.constant 0 : i32
          %dma_wait3A_290 = tpu.memref_slice %arg4[%multiple_of3A_288, %dma_wait3A_289] : memref<819200x128xf32, #tpu.memory_space<hbm>> -> memref<64x128xf32, #tpu.memory_space<hbm>>
          %dma_wait3A_291 = arith.constant 0 : i32
          %dma_wait3A_292 = tpu.memref_slice %arg4[%multiple_of3A_288, %dma_wait3A_291] : memref<819200x128xf32, #tpu.memory_space<hbm>> -> memref<64x128xf32, #tpu.memory_space<hbm>>
          tpu.wait_dma2 semaphore(%arg30 : memref<!tpu.dma_semaphore, #tpu.memory_space<semaphore_mem>>) src(%arg13 : memref<64x128xf32, #tpu.memory_space<vmem>>) dst(%dma_wait3A_292 : memref<64x128xf32, #tpu.memory_space<hbm>>)
        } else {
        }
        %add3A_274 = arith.constant 1 : i32
        %add3A_275 = arith.addi %add3A_222, %add3A_274 : i32
        %mul3A_276 = arith.constant 64 : i32
        %mul3A_277 = arith.muli %add3A_275, %mul3A_276 : i32
        %multiple_of3A_278 = tpu.assume_multiple %mul3A_277, 8 : i32
        %dma_start3A_279 = tpu.memref_slice %arg5[%multiple_of3A_278] : memref<25600xi32, #tpu.memory_space<vmem>> -> memref<64xi32, #tpu.memory_space<vmem>>
        %dma_start3A_280 = arith.constant 0 : i32
        %dma_start3A_281 = arith.constant 0 : i32
        %dma_start3A_282 = tpu.memref_slice %arg14[%dma_start3A_280, %dma_start3A_281] : memref<1001x128xf32, #tpu.memory_space<vmem_shared>> -> memref<1001x128xf32, #tpu.memory_space<vmem_shared>>
        tpu.enqueue_indirect_dma source(%dma_start3A_282 : memref<1001x128xf32, #tpu.memory_space<vmem_shared>>) target(%arg13 : memref<64x128xf32, #tpu.memory_space<vmem>>) offsets(%dma_start3A_279 : memref<64xi32, #tpu.memory_space<vmem>>) semaphore(%arg22 : memref<!tpu.dma_semaphore, #tpu.memory_space<semaphore_mem>>)
      } else {
      }
      %mul3A_230 = arith.constant 64 : i32
      %mul3A_231 = arith.muli %add3A_222, %mul3A_230 : i32
      %multiple_of3A_232 = tpu.assume_multiple %mul3A_231, 8 : i32
      %dma_wait3A_233 = tpu.memref_slice %arg5[%multiple_of3A_232] : memref<25600xi32, #tpu.memory_space<vmem>> -> memref<64xi32, #tpu.memory_space<vmem>>
      %dma_wait3A_234 = arith.constant 0 : i32
      %dma_wait3A_235 = arith.constant 0 : i32
      %dma_wait3A_236 = tpu.memref_slice %arg14[%dma_wait3A_234, %dma_wait3A_235] : memref<1001x128xf32, #tpu.memory_space<vmem_shared>> -> memref<1001x128xf32, #tpu.memory_space<vmem_shared>>
      tpu.wait_indirect_dma semaphore(%arg21 : memref<!tpu.dma_semaphore, #tpu.memory_space<semaphore_mem>>) src(%dma_wait3A_236 : memref<1001x128xf32, #tpu.memory_space<vmem_shared>>) dst(%arg12 : memref<64x128xf32, #tpu.memory_space<vmem>>)
      %mul3A_237 = arith.constant 64 : i32
      %mul3A_238 = arith.muli %add3A_222, %mul3A_237 : i32
      %add3A_239 = arith.addi %mul3A_2, %mul3A_238 : i32
      %multiple_of3A_240 = tpu.assume_multiple %add3A_239, 8 : i32
      %dma_start3A_241 = arith.constant 0 : i32
      %dma_start3A_242 = tpu.memref_slice %arg4[%multiple_of3A_240, %dma_start3A_241] : memref<819200x128xf32, #tpu.memory_space<hbm>> -> memref<64x128xf32, #tpu.memory_space<hbm>>
      %dma_start3A_243 = arith.constant 0 : i32
      %dma_start3A_244 = tpu.memref_slice %arg4[%multiple_of3A_240, %dma_start3A_243] : memref<819200x128xf32, #tpu.memory_space<hbm>> -> memref<64x128xf32, #tpu.memory_space<hbm>>
      tpu.enqueue_dma source(%arg12 : memref<64x128xf32, #tpu.memory_space<vmem>>) target(%dma_start3A_244 : memref<64x128xf32, #tpu.memory_space<hbm>>) target_semaphore(%arg29 : memref<!tpu.dma_semaphore, #tpu.memory_space<semaphore_mem>>)
      %add3A_245 = arith.constant 7 : i32
      %add3A_246 = arith.addi %mul3A_77, %add3A_245 : i32
      %add3A_247 = arith.constant 1 : i32
      %add3A_248 = arith.addi %add3A_246, %add3A_247 : i32
      %lt3A_249 = arith.constant 400 : i32
      %lt3A_250 = arith.cmpi slt, %add3A_248, %lt3A_249 : i32
      %convert_element_type3A_251 = arith.extui %lt3A_250 : i1 to i32
      %cond3A_252 = arith.constant 0 : i32
      %cond3A_253 = arith.cmpi ne, %convert_element_type3A_251, %cond3A_252 : i32
      scf.if %cond3A_253 {
        %sub3A = arith.constant 7 : i32
        %sub3A_269 = arith.subi %add3A_246, %sub3A : i32
        %ge3A = arith.constant 0 : i32
        %ge3A_270 = arith.cmpi sge, %sub3A_269, %ge3A : i32
        %convert_element_type3A_271 = arith.extui %ge3A_270 : i1 to i32
        %cond3A_272 = arith.constant 0 : i32
        %cond3A_273 = arith.cmpi ne, %convert_element_type3A_271, %cond3A_272 : i32
        scf.if %cond3A_273 {
          %sub3A_283 = arith.constant 7 : i32
          %sub3A_284 = arith.subi %add3A_246, %sub3A_283 : i32
          %mul3A_285 = arith.constant 64 : i32
          %mul3A_286 = arith.muli %sub3A_284, %mul3A_285 : i32
          %add3A_287 = arith.addi %mul3A_2, %mul3A_286 : i32
          %multiple_of3A_288 = tpu.assume_multiple %add3A_287, 8 : i32
          %dma_wait3A_289 = arith.constant 0 : i32
          %dma_wait3A_290 = tpu.memref_slice %arg4[%multiple_of3A_288, %dma_wait3A_289] : memref<819200x128xf32, #tpu.memory_space<hbm>> -> memref<64x128xf32, #tpu.memory_space<hbm>>
          %dma_wait3A_291 = arith.constant 0 : i32
          %dma_wait3A_292 = tpu.memref_slice %arg4[%multiple_of3A_288, %dma_wait3A_291] : memref<819200x128xf32, #tpu.memory_space<hbm>> -> memref<64x128xf32, #tpu.memory_space<hbm>>
          tpu.wait_dma2 semaphore(%arg23 : memref<!tpu.dma_semaphore, #tpu.memory_space<semaphore_mem>>) src(%arg6 : memref<64x128xf32, #tpu.memory_space<vmem>>) dst(%dma_wait3A_292 : memref<64x128xf32, #tpu.memory_space<hbm>>)
        } else {
        }
        %add3A_274 = arith.constant 1 : i32
        %add3A_275 = arith.addi %add3A_246, %add3A_274 : i32
        %mul3A_276 = arith.constant 64 : i32
        %mul3A_277 = arith.muli %add3A_275, %mul3A_276 : i32
        %multiple_of3A_278 = tpu.assume_multiple %mul3A_277, 8 : i32
        %dma_start3A_279 = tpu.memref_slice %arg5[%multiple_of3A_278] : memref<25600xi32, #tpu.memory_space<vmem>> -> memref<64xi32, #tpu.memory_space<vmem>>
        %dma_start3A_280 = arith.constant 0 : i32
        %dma_start3A_281 = arith.constant 0 : i32
        %dma_start3A_282 = tpu.memref_slice %arg14[%dma_start3A_280, %dma_start3A_281] : memref<1001x128xf32, #tpu.memory_space<vmem_shared>> -> memref<1001x128xf32, #tpu.memory_space<vmem_shared>>
        tpu.enqueue_indirect_dma source(%dma_start3A_282 : memref<1001x128xf32, #tpu.memory_space<vmem_shared>>) target(%arg6 : memref<64x128xf32, #tpu.memory_space<vmem>>) offsets(%dma_start3A_279 : memref<64xi32, #tpu.memory_space<vmem>>) semaphore(%arg15 : memref<!tpu.dma_semaphore, #tpu.memory_space<semaphore_mem>>)
      } else {
      }
      %mul3A_254 = arith.constant 64 : i32
      %mul3A_255 = arith.muli %add3A_246, %mul3A_254 : i32
      %multiple_of3A_256 = tpu.assume_multiple %mul3A_255, 8 : i32
      %dma_wait3A_257 = tpu.memref_slice %arg5[%multiple_of3A_256] : memref<25600xi32, #tpu.memory_space<vmem>> -> memref<64xi32, #tpu.memory_space<vmem>>
      %dma_wait3A_258 = arith.constant 0 : i32
      %dma_wait3A_259 = arith.constant 0 : i32
      %dma_wait3A_260 = tpu.memref_slice %arg14[%dma_wait3A_258, %dma_wait3A_259] : memref<1001x128xf32, #tpu.memory_space<vmem_shared>> -> memref<1001x128xf32, #tpu.memory_space<vmem_shared>>
      tpu.wait_indirect_dma semaphore(%arg22 : memref<!tpu.dma_semaphore, #tpu.memory_space<semaphore_mem>>) src(%dma_wait3A_260 : memref<1001x128xf32, #tpu.memory_space<vmem_shared>>) dst(%arg13 : memref<64x128xf32, #tpu.memory_space<vmem>>)
      %mul3A_261 = arith.constant 64 : i32
      %mul3A_262 = arith.muli %add3A_246, %mul3A_261 : i32
      %add3A_263 = arith.addi %mul3A_2, %mul3A_262 : i32
      %multiple_of3A_264 = tpu.assume_multiple %add3A_263, 8 : i32
      %dma_start3A_265 = arith.constant 0 : i32
      %dma_start3A_266 = tpu.memref_slice %arg4[%multiple_of3A_264, %dma_start3A_265] : memref<819200x128xf32, #tpu.memory_space<hbm>> -> memref<64x128xf32, #tpu.memory_space<hbm>>
      %dma_start3A_267 = arith.constant 0 : i32
      %dma_start3A_268 = tpu.memref_slice %arg4[%multiple_of3A_264, %dma_start3A_267] : memref<819200x128xf32, #tpu.memory_space<hbm>> -> memref<64x128xf32, #tpu.memory_space<hbm>>
      tpu.enqueue_dma source(%arg13 : memref<64x128xf32, #tpu.memory_space<vmem>>) target(%dma_start3A_268 : memref<64x128xf32, #tpu.memory_space<hbm>>) target_semaphore(%arg30 : memref<!tpu.dma_semaphore, #tpu.memory_space<semaphore_mem>>)
    }
    %scan3A_19 = arith.constant 50 : i32
    %add3A_20 = arith.constant 25088 : i32
    %add3A_21 = arith.addi %mul3A_2, %add3A_20 : i32
    %multiple_of3A_22 = tpu.assume_multiple %add3A_21, 8 : i32
    %dma_wait3A = arith.constant 0 : i32
    %dma_wait3A_23 = tpu.memref_slice %arg4[%multiple_of3A_22, %dma_wait3A] : memref<819200x128xf32, #tpu.memory_space<hbm>> -> memref<64x128xf32, #tpu.memory_space<hbm>>
    %dma_wait3A_24 = arith.constant 0 : i32
    %dma_wait3A_25 = tpu.memref_slice %arg4[%multiple_of3A_22, %dma_wait3A_24] : memref<819200x128xf32, #tpu.memory_space<hbm>> -> memref<64x128xf32, #tpu.memory_space<hbm>>
    tpu.wait_dma2 semaphore(%arg23 : memref<!tpu.dma_semaphore, #tpu.memory_space<semaphore_mem>>) src(%arg6 : memref<64x128xf32, #tpu.memory_space<vmem>>) dst(%dma_wait3A_25 : memref<64x128xf32, #tpu.memory_space<hbm>>)
    %add3A_26 = arith.constant 25152 : i32
    %add3A_27 = arith.addi %mul3A_2, %add3A_26 : i32
    %multiple_of3A_28 = tpu.assume_multiple %add3A_27, 8 : i32
    %dma_wait3A_29 = arith.constant 0 : i32
    %dma_wait3A_30 = tpu.memref_slice %arg4[%multiple_of3A_28, %dma_wait3A_29] : memref<819200x128xf32, #tpu.memory_space<hbm>> -> memref<64x128xf32, #tpu.memory_space<hbm>>
    %dma_wait3A_31 = arith.constant 0 : i32
    %dma_wait3A_32 = tpu.memref_slice %arg4[%multiple_of3A_28, %dma_wait3A_31] : memref<819200x128xf32, #tpu.memory_space<hbm>> -> memref<64x128xf32, #tpu.memory_space<hbm>>
    tpu.wait_dma2 semaphore(%arg24 : memref<!tpu.dma_semaphore, #tpu.memory_space<semaphore_mem>>) src(%arg7 : memref<64x128xf32, #tpu.memory_space<vmem>>) dst(%dma_wait3A_32 : memref<64x128xf32, #tpu.memory_space<hbm>>)
    %add3A_33 = arith.constant 25216 : i32
    %add3A_34 = arith.addi %mul3A_2, %add3A_33 : i32
    %multiple_of3A_35 = tpu.assume_multiple %add3A_34, 8 : i32
    %dma_wait3A_36 = arith.constant 0 : i32
    %dma_wait3A_37 = tpu.memref_slice %arg4[%multiple_of3A_35, %dma_wait3A_36] : memref<819200x128xf32, #tpu.memory_space<hbm>> -> memref<64x128xf32, #tpu.memory_space<hbm>>
    %dma_wait3A_38 = arith.constant 0 : i32
    %dma_wait3A_39 = tpu.memref_slice %arg4[%multiple_of3A_35, %dma_wait3A_38] : memref<819200x128xf32, #tpu.memory_space<hbm>> -> memref<64x128xf32, #tpu.memory_space<hbm>>
    tpu.wait_dma2 semaphore(%arg25 : memref<!tpu.dma_semaphore, #tpu.memory_space<semaphore_mem>>) src(%arg8 : memref<64x128xf32, #tpu.memory_space<vmem>>) dst(%dma_wait3A_39 : memref<64x128xf32, #tpu.memory_space<hbm>>)
    %add3A_40 = arith.constant 25280 : i32
    %add3A_41 = arith.addi %mul3A_2, %add3A_40 : i32
    %multiple_of3A_42 = tpu.assume_multiple %add3A_41, 8 : i32
    %dma_wait3A_43 = arith.constant 0 : i32
    %dma_wait3A_44 = tpu.memref_slice %arg4[%multiple_of3A_42, %dma_wait3A_43] : memref<819200x128xf32, #tpu.memory_space<hbm>> -> memref<64x128xf32, #tpu.memory_space<hbm>>
    %dma_wait3A_45 = arith.constant 0 : i32
    %dma_wait3A_46 = tpu.memref_slice %arg4[%multiple_of3A_42, %dma_wait3A_45] : memref<819200x128xf32, #tpu.memory_space<hbm>> -> memref<64x128xf32, #tpu.memory_space<hbm>>
    tpu.wait_dma2 semaphore(%arg26 : memref<!tpu.dma_semaphore, #tpu.memory_space<semaphore_mem>>) src(%arg9 : memref<64x128xf32, #tpu.memory_space<vmem>>) dst(%dma_wait3A_46 : memref<64x128xf32, #tpu.memory_space<hbm>>)
    %add3A_47 = arith.constant 25344 : i32
    %add3A_48 = arith.addi %mul3A_2, %add3A_47 : i32
    %multiple_of3A_49 = tpu.assume_multiple %add3A_48, 8 : i32
    %dma_wait3A_50 = arith.constant 0 : i32
    %dma_wait3A_51 = tpu.memref_slice %arg4[%multiple_of3A_49, %dma_wait3A_50] : memref<819200x128xf32, #tpu.memory_space<hbm>> -> memref<64x128xf32, #tpu.memory_space<hbm>>
    %dma_wait3A_52 = arith.constant 0 : i32
    %dma_wait3A_53 = tpu.memref_slice %arg4[%multiple_of3A_49, %dma_wait3A_52] : memref<819200x128xf32, #tpu.memory_space<hbm>> -> memref<64x128xf32, #tpu.memory_space<hbm>>
    tpu.wait_dma2 semaphore(%arg27 : memref<!tpu.dma_semaphore, #tpu.memory_space<semaphore_mem>>) src(%arg10 : memref<64x128xf32, #tpu.memory_space<vmem>>) dst(%dma_wait3A_53 : memref<64x128xf32, #tpu.memory_space<hbm>>)
    %add3A_54 = arith.constant 25408 : i32
    %add3A_55 = arith.addi %mul3A_2, %add3A_54 : i32
    %multiple_of3A_56 = tpu.assume_multiple %add3A_55, 8 : i32
    %dma_wait3A_57 = arith.constant 0 : i32
    %dma_wait3A_58 = tpu.memref_slice %arg4[%multiple_of3A_56, %dma_wait3A_57] : memref<819200x128xf32, #tpu.memory_space<hbm>> -> memref<64x128xf32, #tpu.memory_space<hbm>>
    %dma_wait3A_59 = arith.constant 0 : i32
    %dma_wait3A_60 = tpu.memref_slice %arg4[%multiple_of3A_56, %dma_wait3A_59] : memref<819200x128xf32, #tpu.memory_space<hbm>> -> memref<64x128xf32, #tpu.memory_space<hbm>>
    tpu.wait_dma2 semaphore(%arg28 : memref<!tpu.dma_semaphore, #tpu.memory_space<semaphore_mem>>) src(%arg11 : memref<64x128xf32, #tpu.memory_space<vmem>>) dst(%dma_wait3A_60 : memref<64x128xf32, #tpu.memory_space<hbm>>)
    %add3A_61 = arith.constant 25472 : i32
    %add3A_62 = arith.addi %mul3A_2, %add3A_61 : i32
    %multiple_of3A_63 = tpu.assume_multiple %add3A_62, 8 : i32
    %dma_wait3A_64 = arith.constant 0 : i32
    %dma_wait3A_65 = tpu.memref_slice %arg4[%multiple_of3A_63, %dma_wait3A_64] : memref<819200x128xf32, #tpu.memory_space<hbm>> -> memref<64x128xf32, #tpu.memory_space<hbm>>
    %dma_wait3A_66 = arith.constant 0 : i32
    %dma_wait3A_67 = tpu.memref_slice %arg4[%multiple_of3A_63, %dma_wait3A_66] : memref<819200x128xf32, #tpu.memory_space<hbm>> -> memref<64x128xf32, #tpu.memory_space<hbm>>
    tpu.wait_dma2 semaphore(%arg29 : memref<!tpu.dma_semaphore, #tpu.memory_space<semaphore_mem>>) src(%arg12 : memref<64x128xf32, #tpu.memory_space<vmem>>) dst(%dma_wait3A_67 : memref<64x128xf32, #tpu.memory_space<hbm>>)
    %add3A_68 = arith.constant 25536 : i32
    %add3A_69 = arith.addi %mul3A_2, %add3A_68 : i32
    %multiple_of3A_70 = tpu.assume_multiple %add3A_69, 8 : i32
    %dma_wait3A_71 = arith.constant 0 : i32
    %dma_wait3A_72 = tpu.memref_slice %arg4[%multiple_of3A_70, %dma_wait3A_71] : memref<819200x128xf32, #tpu.memory_space<hbm>> -> memref<64x128xf32, #tpu.memory_space<hbm>>
    %dma_wait3A_73 = arith.constant 0 : i32
    %dma_wait3A_74 = tpu.memref_slice %arg4[%multiple_of3A_70, %dma_wait3A_73] : memref<819200x128xf32, #tpu.memory_space<hbm>> -> memref<64x128xf32, #tpu.memory_space<hbm>>
    tpu.wait_dma2 semaphore(%arg30 : memref<!tpu.dma_semaphore, #tpu.memory_space<semaphore_mem>>) src(%arg13 : memref<64x128xf32, #tpu.memory_space<vmem>>) dst(%dma_wait3A_74 : memref<64x128xf32, #tpu.memory_space<hbm>>)
    return
  }
}

</mosaic_0001>

<sc_bundles>
// kernel: kernel.3.cloned.1.call-start
scs
__scs_entry_jumppad:
0x0: {  	(pc) =	sbr.rel $0x88, $3  }
0x1: {  	(tag) =	ssettag $0x0;
	lr =	simm.s32 $0x1  }
0x2: {  	[smem:$0x3F9F] =	sst lr;
	_ =	strace $0xD0000000  }
0x3: {  	_ = 	snop  }
0x4: {  	_ = 	snop  }
0x5: {  	_ = 	snop  }
0x6: {  	_ = 	snop  }
0x7: {  	_ = 	snop  }
__scs_overlays_trampoline_lowered:
0x8: {  	[smem:$0x3FAE] =	sst s0  }
0x9: {  	[smem:$0x3FAF] =	sst s1  }
0xa: {  	[smem:$0x3FB0] =	sst s2  }
0xb: {  	[smem:$0x3FB1] =	sst s3  }
0xc: {  	[smem:$0x3FB2] =	sst s4  }
0xd: {  	[smem:$0x3FB3] =	sst s5  }
0xe: {  	[smem:$0x3FB4] =	sst s6  }
0xf: {  	[smem:$0x3FB5] =	sst s7  }
0x10: {  	[smem:$0x3FB6] =	sst s8  }
0x11: {  	[smem:$0x3FB7] =	sst s9;
	s0 =	simm.s32 @!p0 $0x0  }
0x12: {  	s1 =	sld [smem:$0x3F9D];
	s0 =	simm.s32 @p0 $0x1  }
0x13: {  	[smem:$0x3FB8] =	sst s0;
	s0 =	simm.s32 @!p1 $0x0  }
0x14: {  	s2 =	sld [smem:$0x3F9C];
	s0 =	simm.s32 @p1 $0x1  }
0x15: {  	[smem:$0x3FB9] =	sst s0;
	s0 =	simm.s32 @!p2 $0x0  }
0x16: {  	s3 =	sld [smem:$0x3FDB];
	s0 =	simm.s32 @p2 $0x1  }
0x17: {  	s4 =	simm.s32 $0x1BF5;
	[smem:$0x3FBB] =	sst s0  }
0x18: {  	s0 =	sld [smem:$0x3F9E];
	_ =	swait.ge [sflag:s4], $0x0  }
0x19: {  	s7 =	sld [smem:$0x3F9F]  }
0x1a: {  	s8 =	sadd.s32 $0xFFFFE003, lr  }
0x1b: {  	s9 =	sadd.s32 $0xFFFFFEF7, lr;
	s5 =	simm.s32 $0xFFFFFFFF;
	p2 =	slt.u32 s8, $0xFFFFF086  }
0x1c: {  	p1 =	slt.u32 s9, $0xF7A;
	s5 =	simm.s32 @!p2 $0x0  }
0x1d: {  	s5 =	simm.s32 @p1 $0x1;
	p0 =	seq.s32 s7, s2  }
0x1e: {  	s7 =	smul.u32 @!p0 $0xF7A, s2;
	p2 =	seq.s32 @!p0 s5, $0x0  }
0x1f: {  	s9 =	smul.u32 $0xF7A, s1;
	s8 =	simm.s32 @!p0 $0x1BF5;
	p2 =	por !p2, p0  }
0x20: {  	[sflag:s8] =	ssyncset.s32 @!p0 $0xFFFFF086;
	s6 =	sadd.s32 @!p0 s3, s7;
	s7 =	simm.s32 @!p0 $0x108  }
0x21: {  	s3 =	sadd.s32 s3, s9;
	s6 =	sadd.s32 @!p0 $0x88, s6;
	s7 =	simm.s32 @p2 $0x1082  }
0x22: {  	[simem:s7], [sflag:s8] =	dma.local @!p0 [hbm:s6], $0xF7A  }
0x23: {  	s9 =	sor.u32 $0xD0000000, s2;
	s6 =	simm.s32 $0x108;
	_ =	swait.ge @!p0 [sflag:s8], $0x0  }
0x24: {  	s3 =	sadd.s32 $0x88, s3;
	s6 =	simm.s32 @!p1 $0x1082;
	[sflag:s4] =	ssyncset.s32 $0xFFFFF086  }
0x25: {  	[simem:s6], [sflag:s4] =	dma.local [hbm:s3], $0xF7A  }
0x26: {  	[smem:$0x3F9F] =	sst s1;
	(tag) =	ssettag s2;
	_ =	strace s9  }
0x27: {  	s1 =	sld [smem:$0x3FAF]  }
0x28: {  	s2 =	sld [smem:$0x3FB0]  }
0x29: {  	s4 =	sld [smem:$0x3FB2]  }
0x2a: {  	p0 =	seq.s32 s5, $0x0;
	s5 =	sld [smem:$0x3FB3]  }
0x2b: {  	s6 =	sld [smem:$0x3FB4]  }
0x2c: {  	s7 =	sld [smem:$0x3FB5]  }
0x2d: {  	s3 =	simm.s32 $0x108;
	s8 =	sld [smem:$0x3FB6]  }
0x2e: {  	s3 =	simm.s32 @!p0 $0x1082;
	s9 =	sld [smem:$0x3FB7]  }
0x2f: {  	lr =	sadd.s32 s0, s3;
	s0 =	sld [smem:$0x3FAE]  }
0x30: {  	s3 =	sld [smem:$0x3FB1]  }
0x31: {  	[smem:$0x3FBA] =	sst s10  }
0x32: {  	s10 =	sld [smem:$0x3FB8];
	_ =	sdelay $0x3  }
0x33: {  	p0 =	seq.s32 s10, $0x1;
	s10 =	sld [smem:$0x3FBA];
	_ =	sdelay $0x3  }
0x34: {  	[smem:$0x3FBA] =	sst s10  }
0x35: {  	s10 =	sld [smem:$0x3FB9];
	_ =	sdelay $0x3  }
0x36: {  	p1 =	seq.s32 s10, $0x1;
	s10 =	sld [smem:$0x3FBA];
	_ =	sdelay $0x3  }
0x37: {  	[smem:$0x3FBA] =	sst s10  }
0x38: {  	s10 =	sld [smem:$0x3FBB]  }
0x39: {  	_ = 	snop;
	(pc) =	sbr.ind lr, $3  }
0x3a: {  	_ = 	snop  }
0x3b: {  	_ = 	snop  }
0x3c: {  	p2 =	seq.s32 s10, $0x1;
	s10 =	sld [smem:$0x3FBA]  }
0x3d: {  	_ =	shalt  }
0x3e: {  	_ =	shalt  }
0x3f: {  	_ =	shalt  }
0x40: {  	_ =	shalt  }
0x41: {  	_ =	shalt  }
0x42: {  	_ =	shalt  }
0x43: {  	_ =	shalt  }
0x44: {  	_ =	shalt  }
0x45: {  	_ =	shalt  }
0x46: {  	_ =	shalt  }
0x47: {  	_ =	shalt  }
0x48: {  	_ =	shalt  }
0x49: {  	_ =	shalt  }
0x4a: {  	_ =	shalt  }
0x4b: {  	_ =	shalt  }
0x4c: {  	_ =	shalt  }
0x4d: {  	_ =	shalt  }
0x4e: {  	_ =	shalt  }
0x4f: {  	_ =	shalt  }
0x50: {  	_ =	shalt  }
0x51: {  	_ =	shalt  }
0x52: {  	_ =	shalt  }
0x53: {  	_ =	shalt  }
0x54: {  	_ =	shalt  }
0x55: {  	_ =	shalt  }
0x56: {  	_ =	shalt  }
0x57: {  	_ =	shalt  }
0x58: {  	_ =	shalt  }
0x59: {  	_ =	shalt  }
0x5a: {  	_ =	shalt  }
0x5b: {  	_ =	shalt  }
0x5c: {  	_ =	shalt  }
0x5d: {  	_ =	shalt  }
0x5e: {  	_ =	shalt  }
0x5f: {  	_ =	shalt  }
0x60: {  	_ =	shalt  }
0x61: {  	_ =	shalt  }
0x62: {  	_ =	shalt  }
0x63: {  	_ =	shalt  }
0x64: {  	_ =	shalt  }
0x65: {  	_ =	shalt  }
0x66: {  	_ =	shalt  }
0x67: {  	_ =	shalt  }
0x68: {  	_ =	shalt  }
0x69: {  	_ =	shalt  }
0x6a: {  	_ =	shalt  }
0x6b: {  	_ =	shalt  }
0x6c: {  	_ =	shalt  }
0x6d: {  	_ =	shalt  }
0x6e: {  	_ =	shalt  }
0x6f: {  	_ =	shalt  }
0x70: {  	_ =	shalt  }
0x71: {  	_ =	shalt  }
0x72: {  	_ =	shalt  }
0x73: {  	_ =	shalt  }
0x74: {  	_ =	shalt  }
0x75: {  	_ =	shalt  }
0x76: {  	_ =	shalt  }
0x77: {  	_ =	shalt  }
0x78: {  	_ =	shalt  }
0x79: {  	_ =	shalt  }
0x7a: {  	_ =	shalt  }
0x7b: {  	_ =	shalt  }
0x7c: {  	_ =	shalt  }
0x7d: {  	_ =	shalt  }
0x7e: {  	_ =	shalt  }
0x7f: {  	_ =	shalt  }
0x80: {  	_ =	shalt  }
0x81: {  	_ =	shalt  }
0x82: {  	_ =	shalt  }
0x83: {  	_ =	shalt  }
0x84: {  	_ =	shalt  }
0x85: {  	_ =	shalt  }
0x86: {  	_ =	shalt  }
0x87: {  	_ =	shalt  }
.Lfunc_end0:
.L_simem_size_0:
called_computation_lowered:
.L_overlay_start_0:
0x88: {  	s2 =	sld [smem:$0x3FD9]  }
0x89: {  	s3 =	sld [smem:$0x3FFE];
	_ =	sdelay $0x1  }
0x8a: {  	s1 =	srdreg.scid  }
0x8b: {  	s0 =	sand.u32 $0x1, s1  }
0x8c: {  	s17 =	sshll.u32 s0, $0xA;
	s2 =	sadd.s32 s3, s2  }
0x8d: {  	s2 =	sadd.s32 s2, s17  }
0x8e: {  	[smem:$0x3FC6] =	sst s2  }
0x8f: {  	_ = 	snop  }
0x90: {  	s2 =	sld [smem:$0x3FC8]  }
0x91: {  	s18 =	sld [smem:$0x3FD0];
	(tm) =	ssettm $0x1  }
0x92: {  	s4 =	sld [smem:$0x3FFB];
	_ =	sdelay $0x3  }
0x93: {  	_ =	strace s4  }
0x94: {  	s4 =	sld [smem:$0x3FFC];
	_ =	sdelay $0x3  }
0x95: {  	_ =	strace s4  }
0x96: {  	s4 =	sld [smem:$0x3FFD];
	_ =	sdelay $0x3  }
0x97: {  	_ =	strace s4  }
0x98: {  	_ =	strace $0x8FFFFFFF  }
0x99: {  	s19 =	sld [smem:$0x3FDB];
	_ =	sdelay $0x1  }
0x9a: {  	s5 =	simm.s32 $_scs_section_size  }
0x9b: {  	s6 =	simm.s32 $_size__tile_overlayer_lowered;
	s7 =	simm.s32 $_tile_overlayer_lowered  }
0x9c: {  	s22 =	simm.s32 $0x1BFF;
	s21 =	sshll.u32 s7, $0x1;
	s4 =	sadd.s32 s5, s19  }
0x9d: {  	s8 =	simm.s32 $0x0;
	s20 =	sshll.u32 s6, $0x1;
	s6 =	sadd.s32 s21, s4  }
0x9e: {  	[timem:s8], [sflag:s22] =	dma.local [hbm:s6], s20  }
0x9f: {  	_ =	swait.ge [sflag:s22], s20  }
0xa0: {  	s5 =	ssub.s32 $0x0, s20;
	[sflag:s22] =	ssyncset.done $0x0  }
0xa1: {  	[sflag:s22] =	ssyncadd.s32 s5;
	_ =	sdelay $0x1  }
0xa2: {  	s23 =	simm.s32 $0x1B8B  }
0xa3: {  	_ =	swait.ge [sflag:s23], $0x1  }
0xa4: {  	[sflag:s23] =	ssyncset.done $0x0  }
0xa5: {  	s25 =	simm.s32 $0x1B8E;
	s24 =	sld [smem:$0x3FFE];
	[sflag:s23] =	ssyncadd.s32 $0xFFFFFFFF  }
0xa6: {  	s26 =	simm.s32 $execute0_lowered;
	[smem:$0x3FD2] =	sst s25  }
0xa7: {  	s6 =	sshll.u32 s26, $0x1;
	_ =	strace $0x80000046;
	[dreg:$0x1] =	wrdreg $0xFFFFFFFF  }
0xa8: {  	s28 =	simm.s32 $_size_execute0_lowered;
	s4 =	sadd.s32 s4, s6;
	[dreg:$0x0] =	wrdreg $0x0  }
0xa9: {  	s6 =	sshll.u32 s28, $0x1;
	[dreg:$0x2] =	wrdreg s4  }
0xaa: {  	[dreg:$0x3] =	wrdreg s6  }
0xab: {  	[dreg:$0x4] =	wrdreg $0xC0  }
0xac: {  	_ =	task [dreg:s8], $0x5FFFF  }
0xad: {  	[dreg:$0x1] =	wrdreg $0xFFFFFFFF  }
0xae: {  	[dreg:$0x0] =	wrdreg $0x60  }
0xaf: {  	[dreg:$0x2] =	wrdreg s2  }
0xb0: {  	[dreg:$0x3] =	wrdreg s24  }
0xb1: {  	[dreg:$0x4] =	wrdreg s18  }
0xb2: {  	[dreg:$0x5] =	wrdreg $0x164000  }
0xb3: {  	[dreg:$0x6] =	wrdreg $0x9  }
0xb4: {  	_ =	task.clear_ibuf [dreg:s8], $0x7FFFF;
	_ =	strace $0x90000046  }
0xb5: {  	s29 =	simm.s32 $0x9;
	_ =	strace $0x80000048  }
0xb6: {  	_ =	swait.ge [sflag:s29], $0x1  }
0xb7: {  	[sflag:s29] =	ssyncadd.s32 $0xFFFFFFFF  }
0xb8: {  	_ =	strace $0x90000048  }
0xb9: {  	_ =	sfence  }
0xba: {  	s30 =	sld [smem:$0x0];
	_ =	sdelay $0x2  }
0xbb: {  	s31 =	sshll.u32 s1, $0xD;
	s1 =	sshrl.u32 s1, $0x2  }
0xbc: {  	s3 =	sand.u32 $0x4000, s31;
	s1 =	sadd.s32 s1, s30  }
0xbd: {  	s0 =	sor.u32 s3, s0;
	s1 =	sshll.u32 s1, $0x11  }
0xbe: {  	s0 =	sor.u32 s1, s0  }
0xbf: {  	s0 =	sadd.s32 $0x8F2B, s0  }
0xc0: {  	[sflag:s0] =	ssyncadd.remote.s32 $0x1  }
0xc1: {  	_ =	sfence.sel $0xFFFF  }
0xc2: {  	[dreg:$0x0] =	wrdreg $0xFFFFFFFF;
	(pc) =	sbr.abs _section_cstart, $3  }
0xc3: {  	[dreg:$0x1] =	wrdreg $0xFFFFFFFF  }
0xc4: {  	_ =	task.clear_ibuf [dreg:s8], $0x2FFFF;
	_ =	strace $0x9FFFFFFF  }
0xc5: {  	(tm) =	ssettm $0x7FFFFFFF  }
tec
execute0_lowered:
.L_overlay_start_1:
0x0: {  	(tag) =	ssettag $0x1  }
0x1: {  	s0 =	srdreg.scid  }
0x2: {  	s1 =	stileid.u32;
	s2 =	rddreg [dreg:$0x1]  }
0x3: {  	s28 =	rddreg [dreg:$0x2];
	s9 =	simm.s32 $0x40;
	s10 =	simm.s32 $0x6400  }
0x4: {  	s11 =	simm.s32 $0x8400;
	s12 =	simm.s32 $0x1;
	s13 =	simm.s32 $0xA400  }
0x5: {  	s14 =	simm.s32 $0x2;
	s0 =	sand.u32 $0x1, s0;
	s3 =	sshll.u32 s1, $0x1  }
0x6: {  	s15 =	simm.s32 $0xC400;
	s6 =	smul.u32 $0x640000, s1;
	s4 =	sor.u32 s0, s3  }
0x7: {  	s3 =	rddreg [dreg:$0x3];
	s7 =	ssub.s32 $0x2, s0;
	s0 =	smul.u32 $0x320000, s0  }
0x8: {  	s5 =	smul.u32 $0xC80, s4;
	s4 =	simm.s32 $0x0;
	s8 =	sshrl.u32 s7, $0x1  }
0x9: {  	p0 =	sne.s32 s1, $0x0;
	[smem:$0x7FF] =	sst s4;
	s16 =	ssub.s32 s7, s8  }
0xa: {  	s0 =	sadd.s32 s0, s6;
	_ =	strace $0x80000047;
	s2 =	sadd.s32 s5, s2  }
0xb: {  	s17 =	sshrl.u32 s0, $0x3;
	s6 =	sor.u32 $0xE000, s0;
	s19 =	sor.u32 $0xC000, s0  }
0xc: {  	s21 =	sor.u32 $0xA000, s0;
	s23 =	sor.u32 $0x8000, s0;
	s25 =	sor.u32 $0x6000, s0  }
0xd: {  	s29 =	sor.u32 $0x4000, s0;
	s31 =	smax.u32 s16, $0x1;
	[dreg:$0x5] =	wrdreg s17  }
0xe: {  	s0 =	sor.u32 $0x2000, s0;
	s2 =	sadd.s32 $0x400, s2;
	[dreg:$0xe] =	wrdreg s31  }
0xf: {  	s16 =	simm.s32 $0x3;
	s18 =	sshrl.u32 s6, $0x3;
	[dreg:$0xd] =	wrdreg s2  }
0x10: {  	s5 =	simm.s32 $0x10;
	s20 =	sshrl.u32 s19, $0x3;
	[dreg:$0x6] =	wrdreg s18  }
0x11: {  	s22 =	sshrl.u32 s21, $0x3;
	s24 =	sshrl.u32 s23, $0x3;
	[dreg:$0x7] =	wrdreg s20  }
0x12: {  	s26 =	sshrl.u32 s25, $0x3;
	s30 =	sshrl.u32 s29, $0x3;
	[dreg:$0x8] =	wrdreg s22  }
0x13: {  	s0 =	sshrl.u32 s0, $0x3;
	s17 =	simm.s32 $0xE400;
	[dreg:$0x9] =	wrdreg s24  }
0x14: {  	s19 =	simm.s32 $0x10400;
	s21 =	simm.s32 $0x12400;
	[dreg:$0xa] =	wrdreg s26  }
0x15: {  	s23 =	simm.s32 $0x14400;
	s25 =	simm.s32 $0x8;
	[dreg:$0xb] =	wrdreg s30  }
0x16: {  	s6 =	simm.s32 $0x0;
	[dreg:$0xc] =	wrdreg s0;
	s0 =	sshrl.u32 @!p0 s3, $0x3  }
0x17: {  	s18 =	simm.s32 $0x4;
	s20 =	simm.s32 $0x5;
	s22 =	simm.s32 $0x6  }
0x18: {  	s24 =	simm.s32 $0x7;
	[dreg:$0xf] =	wrdreg s0;
	s0 =	simm.s32 $0xF  }
.LBB2_1:
0x19: {  	s1 =	rddreg [dreg:$0x0]  }
0x1a: {  	s2 =	simm.s32 @!p0 $0x1C11;
	s7 =	rddreg [dreg:$0xf]  }
0x1b: {  	[spmem:s7], [sflag:s2] =	dma.local @!p0 [hbm:s1], $0x3E90  }
0x1c: {  	s2 =	simm.s32 @!p0 $0x11  }
0x1d: {  	_ =	swait.ge @!p0 [sflag:s2], $0x3E90  }
0x1e: {  	[sflag:s2] =	ssyncset.done @!p0 $0x0  }
0x1f: {  	s31 =	simm.s32 $0x11;
	s30 =	rddreg [dreg:$0xd];
	[sflag:s2] =	ssyncadd.s32 @!p0 $0xFFFFC170  }
0x20: {  	[tilespmem:s4], [sflag:$0x11] =	stream.linear.gather [hbm4b:s30+s4], $0x6400, $0x38;
	[tilespmem:$0x18348] =	vst v63  }
0x21: {  	_ =	swait.ge [sflag:s31], $0x6400  }
0x22: {  	[sflag:s31] =	ssyncset.done $0x0  }
0x23: {  	[sflag:s31] =	ssyncadd.s32 $0xFFFF9C00  }
0x24: {  	v0 =	vld [tilespmem:s9+$0xFFFFFFC0]  }
0x25: {  	v5 =	vld [tilespmem:s9+$0xFFFFFFD0]  }
0x26: {  	v4 =	vld [tilespmem:s9+$0xFFFFFFE0]  }
0x27: {  	v3 =	vld [tilespmem:s9+$0x0]  }
0x28: {  	v1 =	vld [tilespmem:s9+$0x10]  }
0x29: {  	v2 =	vld [tilespmem:s9+$0x20];
	vm0 =	vlt.s32 v0, $0x0  }
0x2a: {  	v6 =	vsel vm0, $0x3E8, v0;
	vm0 =	vlt.s32 v5, $0x0;
	v0 =	vld [tilespmem:s9+$0x30]  }
0x2b: {  	s8 =	simm.s32 $0xC0;
	s7 =	simm.s32 $0x0;
	s2 =	simm.s32 $0x40;
	[tilespmem:s9+$0xFFFFFFC0] =	vst v6;
	v6 =	vsel vm0, $0x3E8, v5;
	vm0 =	vlt.s32 v4, $0x0;
	v5 =	vld [tilespmem:s9+$0xFFFFFFF0]  }
.LBB2_2:
0x2c: {  	v7 =	vld [tilespmem:s8+$0xFFFFFFC0];
	[tilespmem:s2+$0xFFFFFFD0] =	vst v6;
	v4 =	vsel vm0, $0x3E8, v4;
	vm0 =	vlt.s32 v3, $0x0  }
0x2d: {  	s7 =	sadd.s32 $0x8, s7;
	v6 =	vld [tilespmem:s8+$0xFFFFFFD0];
	[tilespmem:s2+$0xFFFFFFE0] =	vst v4;
	v3 =	vsel vm0, $0x3E8, v3;
	vm0 =	vlt.s32 v1, $0x0  }
0x2e: {  	p1 =	slt.u32 s7, $0x638;
	v4 =	vld [tilespmem:s8+$0xFFFFFFE0];
	[tilespmem:s2+$0x0] =	vst v3;
	v1 =	vsel vm0, $0x3E8, v1;
	vm0 =	vlt.s32 v2, $0x0  }
.Ltmp0:
0x2f: {  	v3 =	vld [tilespmem:s8+$0x0];
	[tilespmem:s2+$0x10] =	vst v1;
	v2 =	vsel vm0, $0x3E8, v2;
	vm0 =	vlt.s32 v0, $0x0;
	(pc) =	sbr.rel @p1 .LBB2_2-.Ltmp0, $4  }
0x30: {  	v1 =	vld [tilespmem:s8+$0x10];
	vm1 =	vlt.s32 v5, $0x0;
	[tilespmem:s2+$0x20] =	vst v2;
	v0 =	vsel vm0, $0x3E8, v0  }
0x31: {  	vm0 =	vlt.s32 v7, $0x0;
	v2 =	vld [tilespmem:s8+$0x20];
	v5 =	vsel vm1, $0x3E8, v5;
	[tilespmem:s2+$0x30] =	vst v0  }
0x32: {  	v7 =	vsel vm0, $0x3E8, v7;
	vm0 =	vlt.s32 v6, $0x0;
	v0 =	vld [tilespmem:s8+$0x30];
	[tilespmem:s2+$0xFFFFFFF0] =	vst v5;
	s2 =	smov.u32 s8  }
0x33: {  	s8 =	sadd.s32 $0x80, s8;
	[tilespmem:s2+$0xFFFFFFC0] =	vst v7;
	v6 =	vsel vm0, $0x3E8, v6;
	vm0 =	vlt.s32 v4, $0x0;
	v5 =	vld [tilespmem:s2+$0xFFFFFFF0]  }
0x34: {  	[tilespmem:s2+$0xFFFFFFD0] =	vst v6;
	v4 =	vsel vm0, $0x3E8, v4;
	vm12 =	vlt.s32 v3, $0x0  }
0x35: {  	[tilespmem:s2+$0xFFFFFFE0] =	vst v4;
	v3 =	vsel vm12, $0x3E8, v3;
	vm13 =	vlt.s32 v1, $0x0  }
0x36: {  	[tilespmem:s2+$0x0] =	vst v3;
	v1 =	vsel vm13, $0x3E8, v1;
	vm14 =	vlt.s32 v2, $0x0  }
0x37: {  	[tilespmem:s2+$0x10] =	vst v1;
	v62 =	vsel vm14, $0x3E8, v2;
	vm15 =	vlt.s32 v0, $0x0  }
0x38: {  	vm1 =	vlt.s32 v5, $0x0;
	[tilespmem:s2+$0x20] =	vst v62;
	v0 =	vsel vm15, $0x3E8, v0  }
0x39: {  	p1 =	por $0x1, $0x1;
	v63 =	vsel vm1, $0x3E8, v5;
	[tilespmem:s2+$0x30] =	vst v0  }
0x3a: {  	p1 =	por p1, p1;
	[tilespmem:s2+$0xFFFFFFF0] =	vst v63  }
0x3b: {  	s26 =	simm.s32 $0x0;
	s2 =	simm.s32 @!p1 $0xA;
	[bflag:$0x0] =	sbarrier.arrive $0xFFFF  }
0x3c: {  	[tilespmem:s10], [sflag:$0x1] =	stream.indirect.gather [spmem:s3], $0x80, s26, s9, $0xb8;
	[tilespmem:$0x18348] =	vst v63  }
0x3d: {  	_ =	swait.ge @!p1 [sflag:s2], $0x2000  }
0x3e: {  	[sflag:s2] =	ssyncset.done @!p1 $0x0  }
0x3f: {  	s30 =	simm.s32 $0x40;
	[sflag:s2] =	ssyncadd.s32 @!p1 $0xFFFFE000  }
0x40: {  	[tilespmem:s11], [sflag:$0x2] =	stream.indirect.gather [spmem:s3], $0x80, s30, s9, $0xb8;
	[tilespmem:$0x18348] =	vst v63  }
0x41: {  	_ =	swait.ge [sflag:s12], $0x2000  }
0x42: {  	s31 =	rddreg [dreg:$0x5];
	[sflag:s12] =	ssyncset.done $0x0  }
0x43: {  	s7 =	simm.s32 @!p1 $0xB;
	[sflag:s12] =	ssyncadd.s32 $0xFFFFE000;
	s2 =	sadd.s32 s28, s31  }
0x44: {  	[hbm4b:s2+s4] =	stream.linear.scatter [tilespmem:s10], [sflag:$0x9], $0x2000, $0x38;
	[tilespmem:$0x18348] =	vst v63  }
0x45: {  	_ =	swait.ge @!p1 [sflag:s7], $0x2000  }
0x46: {  	[sflag:s7] =	ssyncset.done @!p1 $0x0  }
0x47: {  	s1 =	simm.s32 $0x80;
	[sflag:s7] =	ssyncadd.s32 @!p1 $0xFFFFE000  }
0x48: {  	[tilespmem:s13], [sflag:$0x3] =	stream.indirect.gather [spmem:s3], $0x80, s1, s9, $0xb8;
	[tilespmem:$0x18348] =	vst v63  }
0x49: {  	_ =	swait.ge [sflag:s14], $0x2000  }
0x4a: {  	s7 =	rddreg [dreg:$0xc];
	[sflag:s14] =	ssyncset.done $0x0  }
0x4b: {  	[sflag:s14] =	ssyncadd.s32 $0xFFFFE000;
	s2 =	sadd.s32 s28, s7;
	s7 =	simm.s32 @!p1 $0xC  }
0x4c: {  	[hbm4b:s2+s4] =	stream.linear.scatter [tilespmem:s11], [sflag:$0xA], $0x2000, $0x38;
	[tilespmem:$0x18348] =	vst v63  }
0x4d: {  	_ =	swait.ge @!p1 [sflag:s7], $0x2000  }
0x4e: {  	[sflag:s7] =	ssyncset.done @!p1 $0x0  }
0x4f: {  	s8 =	simm.s32 $0xC0;
	[sflag:s7] =	ssyncadd.s32 @!p1 $0xFFFFE000  }
0x50: {  	[tilespmem:s15], [sflag:$0x4] =	stream.indirect.gather [spmem:s3], $0x80, s8, s9, $0xb8;
	[tilespmem:$0x18348] =	vst v63  }
0x51: {  	_ =	swait.ge [sflag:s16], $0x2000  }
0x52: {  	s26 =	rddreg [dreg:$0xb];
	[sflag:s16] =	ssyncset.done $0x0  }
0x53: {  	s7 =	simm.s32 @!p1 $0xD;
	[sflag:s16] =	ssyncadd.s32 $0xFFFFE000;
	s2 =	sadd.s32 s28, s26  }
0x54: {  	[hbm4b:s2+s4] =	stream.linear.scatter [tilespmem:s13], [sflag:$0xB], $0x2000, $0x38;
	[tilespmem:$0x18348] =	vst v63  }
0x55: {  	_ =	swait.ge @!p1 [sflag:s7], $0x2000  }
0x56: {  	[sflag:s7] =	ssyncset.done @!p1 $0x0  }
0x57: {  	s30 =	simm.s32 $0x100;
	[sflag:s7] =	ssyncadd.s32 @!p1 $0xFFFFE000  }
0x58: {  	[tilespmem:s17], [sflag:$0x5] =	stream.indirect.gather [spmem:s3], $0x80, s30, s9, $0xb8;
	[tilespmem:$0x18348] =	vst v63  }
0x59: {  	_ =	swait.ge [sflag:s18], $0x2000  }
0x5a: {  	s31 =	rddreg [dreg:$0xa];
	[sflag:s18] =	ssyncset.done $0x0  }
0x5b: {  	s7 =	simm.s32 @!p1 $0xE;
	[sflag:s18] =	ssyncadd.s32 $0xFFFFE000;
	s2 =	sadd.s32 s28, s31  }
0x5c: {  	[hbm4b:s2+s4] =	stream.linear.scatter [tilespmem:s15], [sflag:$0xC], $0x2000, $0x38;
	[tilespmem:$0x18348] =	vst v63  }
0x5d: {  	_ =	swait.ge @!p1 [sflag:s7], $0x2000  }
0x5e: {  	[sflag:s7] =	ssyncset.done @!p1 $0x0  }
0x5f: {  	s1 =	simm.s32 $0x140;
	[sflag:s7] =	ssyncadd.s32 @!p1 $0xFFFFE000  }
0x60: {  	[tilespmem:s19], [sflag:$0x6] =	stream.indirect.gather [spmem:s3], $0x80, s1, s9, $0xb8;
	[tilespmem:$0x18348] =	vst v63  }
0x61: {  	_ =	swait.ge [sflag:s20], $0x2000  }
0x62: {  	s7 =	rddreg [dreg:$0x9];
	[sflag:s20] =	ssyncset.done $0x0  }
0x63: {  	[sflag:s20] =	ssyncadd.s32 $0xFFFFE000;
	s2 =	sadd.s32 s28, s7;
	s7 =	simm.s32 @!p1 $0xF  }
0x64: {  	[hbm4b:s2+s4] =	stream.linear.scatter [tilespmem:s17], [sflag:$0xD], $0x2000, $0x38;
	[tilespmem:$0x18348] =	vst v63  }
0x65: {  	_ =	swait.ge @!p1 [sflag:s7], $0x2000  }
0x66: {  	[sflag:s7] =	ssyncset.done @!p1 $0x0  }
0x67: {  	s8 =	simm.s32 $0x180;
	[sflag:s7] =	ssyncadd.s32 @!p1 $0xFFFFE000  }
0x68: {  	[tilespmem:s21], [sflag:$0x7] =	stream.indirect.gather [spmem:s3], $0x80, s8, s9, $0xb8;
	[tilespmem:$0x18348] =	vst v63  }
0x69: {  	_ =	swait.ge [sflag:s22], $0x2000  }
0x6a: {  	s26 =	rddreg [dreg:$0x8];
	[sflag:s22] =	ssyncset.done $0x0  }
0x6b: {  	s7 =	simm.s32 @!p1 $0x10;
	[sflag:s22] =	ssyncadd.s32 $0xFFFFE000;
	s2 =	sadd.s32 s28, s26  }
0x6c: {  	[hbm4b:s2+s4] =	stream.linear.scatter [tilespmem:s19], [sflag:$0xE], $0x2000, $0x38;
	[tilespmem:$0x18348] =	vst v63  }
0x6d: {  	_ =	swait.ge @!p1 [sflag:s7], $0x2000  }
0x6e: {  	[sflag:s7] =	ssyncset.done @!p1 $0x0  }
0x6f: {  	s30 =	simm.s32 $0x1C0;
	[sflag:s7] =	ssyncadd.s32 @!p1 $0xFFFFE000  }
0x70: {  	[tilespmem:s23], [sflag:$0x8] =	stream.indirect.gather [spmem:s3], $0x80, s30, s9, $0xb8;
	[tilespmem:$0x18348] =	vst v63  }
0x71: {  	_ =	swait.ge [sflag:s24], $0x2000  }
0x72: {  	s31 =	rddreg [dreg:$0x7];
	[sflag:s24] =	ssyncset.done $0x0  }
0x73: {  	p1 =	por $0x0, $0x0;
	[sflag:s24] =	ssyncadd.s32 $0xFFFFE000;
	s2 =	sadd.s32 s28, s31  }
0x74: {  	[hbm4b:s2+s4] =	stream.linear.scatter [tilespmem:s21], [sflag:$0xF], $0x2000, $0x38;
	[tilespmem:$0x18348] =	vst v63  }
0x75: {  	s2 =	simm.s32 @!p1 $0x9  }
0x76: {  	_ =	swait.ge @!p1 [sflag:s2], $0x2000  }
0x77: {  	p6 =	por $0x0, $0x0;
	s7 =	simm.s32 @!p1 $0x200;
	[sflag:s2] =	ssyncset.done @!p1 $0x0  }
0x78: {  	s8 =	simm.s32 @!p1 $0x40;
	s26 =	simm.s32 @!p1 $0x6400;
	[sflag:s2] =	ssyncadd.s32 @!p1 $0xFFFFE000  }
0x79: {  	[tilespmem:s26], [sflag:$0x1] =	stream.indirect.gather @!p1 [spmem:s3], $0x80, s7, s8, $0xb8;
	[tilespmem:$0x18348] =	vst v63  }
0x7a: {  	s2 =	smov.u32 s28;
	s8 =	simm.s32 $0x800;
	_ =	swait.ge [sflag:s25], $0x2000  }
0x7b: {  	s26 =	simm.s32 $0x1000;
	p1 =	por p6, p6;
	[sflag:s25] =	ssyncset.done $0x0  }
0x7c: {  	s7 =	sadd.s32 $0x2000, s28;
	s29 =	rddreg [dreg:$0x6];
	[sflag:s25] =	ssyncadd.s32 $0xFFFFE000  }
.LBB2_4:
0x7d: {  	s31 =	simm.s32 @!p1 $0xA;
	s2 =	sadd.s32 s2, s29  }
0x7e: {  	[hbm4b:s2+s4] =	stream.linear.scatter [tilespmem:s23], [sflag:$0x10], $0x2000, $0x38;
	[tilespmem:$0x18348] =	vst v63  }
0x7f: {  	_ =	swait.ge @!p1 [sflag:s31], $0x2000  }
0x80: {  	s30 =	sshra.s32 s8, $0x2;
	[sflag:s31] =	ssyncset.done @!p1 $0x0  }
0x81: {  	s1 =	sadd.s32 $0x40, s30;
	[sflag:s31] =	ssyncadd.s32 @!p1 $0xFFFFE000  }
0x82: {  	[tilespmem:s11], [sflag:$0x2] =	stream.indirect.gather [spmem:s3], $0x80, s1, s9, $0xb8;
	[tilespmem:$0x18348] =	vst v63  }
0x83: {  	_ =	swait.ge [sflag:s12], $0x2000  }
0x84: {  	s1 =	rddreg [dreg:$0x5];
	[sflag:s12] =	ssyncset.done $0x0  }
0x85: {  	[sflag:s12] =	ssyncadd.s32 $0xFFFFE000;
	s31 =	sadd.s32 s7, s1;
	s1 =	simm.s32 @!p1 $0xB  }
0x86: {  	[hbm4b:s31+s4] =	stream.linear.scatter [tilespmem:s10], [sflag:$0x9], $0x2000, $0x38;
	[tilespmem:$0x18348] =	vst v63  }
0x87: {  	_ =	swait.ge @!p1 [sflag:s1], $0x2000  }
0x88: {  	[sflag:s1] =	ssyncset.done @!p1 $0x0  }
0x89: {  	s31 =	sadd.s32 $0x80, s30;
	[sflag:s1] =	ssyncadd.s32 @!p1 $0xFFFFE000  }
0x8a: {  	[tilespmem:s13], [sflag:$0x3] =	stream.indirect.gather [spmem:s3], $0x80, s31, s9, $0xb8;
	[tilespmem:$0x18348] =	vst v63  }
0x8b: {  	_ =	swait.ge [sflag:s14], $0x2000  }
0x8c: {  	s31 =	rddreg [dreg:$0xc];
	[sflag:s14] =	ssyncset.done $0x0  }
0x8d: {  	[sflag:s14] =	ssyncadd.s32 $0xFFFFE000;
	s1 =	sadd.s32 s7, s31;
	s31 =	simm.s32 @!p1 $0xC  }
0x8e: {  	[hbm4b:s1+s4] =	stream.linear.scatter [tilespmem:s11], [sflag:$0xA], $0x2000, $0x38;
	[tilespmem:$0x18348] =	vst v63  }
0x8f: {  	_ =	swait.ge @!p1 [sflag:s31], $0x2000  }
0x90: {  	[sflag:s31] =	ssyncset.done @!p1 $0x0  }
0x91: {  	[sflag:s31] =	ssyncadd.s32 @!p1 $0xFFFFE000;
	s31 =	sadd.s32 $0xC0, s30  }
0x92: {  	[tilespmem:s15], [sflag:$0x4] =	stream.indirect.gather [spmem:s3], $0x80, s31, s9, $0xb8;
	[tilespmem:$0x18348] =	vst v63  }
0x93: {  	_ =	swait.ge [sflag:s16], $0x2000  }
0x94: {  	s31 =	rddreg [dreg:$0xb];
	[sflag:s16] =	ssyncset.done $0x0  }
0x95: {  	[sflag:s16] =	ssyncadd.s32 $0xFFFFE000;
	s1 =	sadd.s32 s7, s31;
	s31 =	simm.s32 @!p1 $0xD  }
0x96: {  	[hbm4b:s1+s4] =	stream.linear.scatter [tilespmem:s13], [sflag:$0xB], $0x2000, $0x38;
	[tilespmem:$0x18348] =	vst v63  }
0x97: {  	_ =	swait.ge @!p1 [sflag:s31], $0x2000  }
0x98: {  	[sflag:s31] =	ssyncset.done @!p1 $0x0  }
0x99: {  	[sflag:s31] =	ssyncadd.s32 @!p1 $0xFFFFE000;
	s31 =	sadd.s32 $0x100, s30  }
0x9a: {  	[tilespmem:s17], [sflag:$0x5] =	stream.indirect.gather [spmem:s3], $0x80, s31, s9, $0xb8;
	[tilespmem:$0x18348] =	vst v63  }
0x9b: {  	_ =	swait.ge [sflag:s18], $0x2000  }
0x9c: {  	s31 =	rddreg [dreg:$0xa];
	[sflag:s18] =	ssyncset.done $0x0  }
0x9d: {  	[sflag:s18] =	ssyncadd.s32 $0xFFFFE000;
	s1 =	sadd.s32 s7, s31;
	s31 =	simm.s32 @!p1 $0xE  }
0x9e: {  	[hbm4b:s1+s4] =	stream.linear.scatter [tilespmem:s15], [sflag:$0xC], $0x2000, $0x38;
	[tilespmem:$0x18348] =	vst v63  }
0x9f: {  	_ =	swait.ge @!p1 [sflag:s31], $0x2000  }
0xa0: {  	[sflag:s31] =	ssyncset.done @!p1 $0x0  }
0xa1: {  	[sflag:s31] =	ssyncadd.s32 @!p1 $0xFFFFE000;
	s31 =	sadd.s32 $0x140, s30  }
0xa2: {  	[tilespmem:s19], [sflag:$0x6] =	stream.indirect.gather [spmem:s3], $0x80, s31, s9, $0xb8;
	[tilespmem:$0x18348] =	vst v63  }
0xa3: {  	_ =	swait.ge [sflag:s20], $0x2000  }
0xa4: {  	s31 =	rddreg [dreg:$0x9];
	[sflag:s20] =	ssyncset.done $0x0  }
0xa5: {  	[sflag:s20] =	ssyncadd.s32 $0xFFFFE000;
	s1 =	sadd.s32 s7, s31;
	s31 =	simm.s32 @!p1 $0xF  }
0xa6: {  	[hbm4b:s1+s4] =	stream.linear.scatter [tilespmem:s17], [sflag:$0xD], $0x2000, $0x38;
	[tilespmem:$0x18348] =	vst v63  }
0xa7: {  	_ =	swait.ge @!p1 [sflag:s31], $0x2000  }
0xa8: {  	[sflag:s31] =	ssyncset.done @!p1 $0x0  }
0xa9: {  	[sflag:s31] =	ssyncadd.s32 @!p1 $0xFFFFE000;
	s31 =	sadd.s32 $0x180, s30  }
0xaa: {  	[tilespmem:s21], [sflag:$0x7] =	stream.indirect.gather [spmem:s3], $0x80, s31, s9, $0xb8;
	[tilespmem:$0x18348] =	vst v63  }
0xab: {  	_ =	swait.ge [sflag:s22], $0x2000  }
0xac: {  	s31 =	rddreg [dreg:$0x8];
	[sflag:s22] =	ssyncset.done $0x0  }
0xad: {  	[sflag:s22] =	ssyncadd.s32 $0xFFFFE000;
	s1 =	sadd.s32 s7, s31;
	s31 =	simm.s32 @!p1 $0x10  }
0xae: {  	[hbm4b:s1+s4] =	stream.linear.scatter [tilespmem:s19], [sflag:$0xE], $0x2000, $0x38;
	[tilespmem:$0x18348] =	vst v63  }
0xaf: {  	_ =	swait.ge @!p1 [sflag:s31], $0x2000  }
0xb0: {  	[sflag:s31] =	ssyncset.done @!p1 $0x0  }
0xb1: {  	p3 =	seq.s32 s26, $0x0;
	s30 =	sadd.s32 $0x1C0, s30;
	[sflag:s31] =	ssyncadd.s32 @!p1 $0xFFFFE000  }
0xb2: {  	[tilespmem:s23], [sflag:$0x8] =	stream.indirect.gather [spmem:s3], $0x80, s30, s9, $0xb8;
	[tilespmem:$0x18348] =	vst v63  }
0xb3: {  	s29 =	smov.u32 s26;
	s26 =	sadd.s32 $0x800, s26;
	_ =	swait.ge [sflag:s24], $0x2000  }
0xb4: {  	p1 =	por p3, p3;
	s31 =	rddreg [dreg:$0x7];
	[sflag:s24] =	ssyncset.done $0x0  }
0xb5: {  	p3 =	seq.s32 s8, $0x18800;
	[sflag:s24] =	ssyncadd.s32 $0xFFFFE000;
	s1 =	sadd.s32 s7, s31  }
0xb6: {  	[hbm4b:s1+s4] =	stream.linear.scatter [tilespmem:s21], [sflag:$0xF], $0x2000, $0x38;
	[tilespmem:$0x18348] =	vst v63  }
0xb7: {  	p2 =	sne.s32 s26, $0x19000;
	s1 =	simm.s32 @!p3 $0x9  }
0xb8: {  	s30 =	sshra.s32 @!p3 s8, $0x2;
	s8 =	smov.u32 s29;
	_ =	swait.ge @!p3 [sflag:s1], $0x2000  }
0xb9: {  	s29 =	sadd.s32 @!p3 $0x200, s30;
	s30 =	simm.s32 @!p3 $0x40;
	[sflag:s1] =	ssyncset.done @!p3 $0x0  }
.Ltmp1:
0xba: {  	s31 =	simm.s32 @!p3 $0x6400;
	[sflag:s1] =	ssyncadd.s32 @!p3 $0xFFFFE000;
	(pc) =	sbr.rel @p2 .LBB2_4-.Ltmp1, $4  }
0xbb: {  	[tilespmem:s31], [sflag:$0x1] =	stream.indirect.gather @!p3 [spmem:s3], $0x80, s29, s30, $0xb8;
	[tilespmem:$0x18348] =	vst v63  }
0xbc: {  	_ =	swait.ge [sflag:s25], $0x2000  }
0xbd: {  	s2 =	smov.u32 s7;
	[sflag:s25] =	ssyncset.done $0x0  }
0xbe: {  	s7 =	sadd.s32 $0x2000, s7;
	s29 =	rddreg [dreg:$0x6];
	[sflag:s25] =	ssyncadd.s32 $0xFFFFE000  }
0xbf: {  	s1 =	sadd.s32 s2, s29;
	s26 =	simm.s32 @!p1 $0xA  }
0xc0: {  	[hbm4b:s1+s4] =	stream.linear.scatter [tilespmem:s23], [sflag:$0x10], $0x2000, $0x38;
	[tilespmem:$0x18348] =	vst v63  }
0xc1: {  	_ =	swait.ge @!p1 [sflag:s26], $0x2000  }
0xc2: {  	s2 =	sshra.s32 s8, $0x2;
	[sflag:s26] =	ssyncset.done @!p1 $0x0  }
0xc3: {  	s29 =	sadd.s32 $0x40, s2;
	[sflag:s26] =	ssyncadd.s32 @!p1 $0xFFFFE000  }
0xc4: {  	[tilespmem:s11], [sflag:$0x2] =	stream.indirect.gather [spmem:s3], $0x80, s29, s9, $0xb8;
	[tilespmem:$0x18348] =	vst v63  }
0xc5: {  	_ =	swait.ge [sflag:s12], $0x2000  }
0xc6: {  	s30 =	rddreg [dreg:$0x5];
	[sflag:s12] =	ssyncset.done $0x0  }
0xc7: {  	[sflag:s12] =	ssyncadd.s32 $0xFFFFE000;
	s1 =	sadd.s32 s7, s30  }
0xc8: {  	[hbm4b:s1+s4] =	stream.linear.scatter [tilespmem:s10], [sflag:$0x9], $0x2000, $0x38;
	[tilespmem:$0x18348] =	vst v63  }
0xc9: {  	s1 =	simm.s32 @!p1 $0xB  }
0xca: {  	_ =	swait.ge @!p1 [sflag:s1], $0x2000  }
0xcb: {  	[sflag:s1] =	ssyncset.done @!p1 $0x0  }
0xcc: {  	s31 =	sadd.s32 $0x80, s2;
	[sflag:s1] =	ssyncadd.s32 @!p1 $0xFFFFE000  }
0xcd: {  	[tilespmem:s13], [sflag:$0x3] =	stream.indirect.gather [spmem:s3], $0x80, s31, s9, $0xb8;
	[tilespmem:$0x18348] =	vst v63  }
0xce: {  	_ =	swait.ge [sflag:s14], $0x2000  }
0xcf: {  	s26 =	rddreg [dreg:$0xc];
	[sflag:s14] =	ssyncset.done $0x0  }
0xd0: {  	[sflag:s14] =	ssyncadd.s32 $0xFFFFE000;
	s1 =	sadd.s32 s7, s26  }
0xd1: {  	[hbm4b:s1+s4] =	stream.linear.scatter [tilespmem:s11], [sflag:$0xA], $0x2000, $0x38;
	[tilespmem:$0x18348] =	vst v63  }
0xd2: {  	s1 =	simm.s32 @!p1 $0xC  }
0xd3: {  	_ =	swait.ge @!p1 [sflag:s1], $0x2000  }
0xd4: {  	[sflag:s1] =	ssyncset.done @!p1 $0x0  }
0xd5: {  	s29 =	sadd.s32 $0xC0, s2;
	[sflag:s1] =	ssyncadd.s32 @!p1 $0xFFFFE000  }
0xd6: {  	[tilespmem:s15], [sflag:$0x4] =	stream.indirect.gather [spmem:s3], $0x80, s29, s9, $0xb8;
	[tilespmem:$0x18348] =	vst v63  }
0xd7: {  	_ =	swait.ge [sflag:s16], $0x2000  }
0xd8: {  	s30 =	rddreg [dreg:$0xb];
	[sflag:s16] =	ssyncset.done $0x0  }
0xd9: {  	[sflag:s16] =	ssyncadd.s32 $0xFFFFE000;
	s1 =	sadd.s32 s7, s30  }
0xda: {  	[hbm4b:s1+s4] =	stream.linear.scatter [tilespmem:s13], [sflag:$0xB], $0x2000, $0x38;
	[tilespmem:$0x18348] =	vst v63  }
0xdb: {  	s1 =	simm.s32 @!p1 $0xD  }
0xdc: {  	_ =	swait.ge @!p1 [sflag:s1], $0x2000  }
0xdd: {  	[sflag:s1] =	ssyncset.done @!p1 $0x0  }
0xde: {  	s31 =	sadd.s32 $0x100, s2;
	[sflag:s1] =	ssyncadd.s32 @!p1 $0xFFFFE000  }
0xdf: {  	[tilespmem:s17], [sflag:$0x5] =	stream.indirect.gather [spmem:s3], $0x80, s31, s9, $0xb8;
	[tilespmem:$0x18348] =	vst v63  }
0xe0: {  	_ =	swait.ge [sflag:s18], $0x2000  }
0xe1: {  	s26 =	rddreg [dreg:$0xa];
	[sflag:s18] =	ssyncset.done $0x0  }
0xe2: {  	[sflag:s18] =	ssyncadd.s32 $0xFFFFE000;
	s1 =	sadd.s32 s7, s26  }
0xe3: {  	[hbm4b:s1+s4] =	stream.linear.scatter [tilespmem:s15], [sflag:$0xC], $0x2000, $0x38;
	[tilespmem:$0x18348] =	vst v63  }
0xe4: {  	s1 =	simm.s32 @!p1 $0xE  }
0xe5: {  	_ =	swait.ge @!p1 [sflag:s1], $0x2000  }
0xe6: {  	[sflag:s1] =	ssyncset.done @!p1 $0x0  }
0xe7: {  	s29 =	sadd.s32 $0x140, s2;
	[sflag:s1] =	ssyncadd.s32 @!p1 $0xFFFFE000  }
0xe8: {  	[tilespmem:s19], [sflag:$0x6] =	stream.indirect.gather [spmem:s3], $0x80, s29, s9, $0xb8;
	[tilespmem:$0x18348] =	vst v63  }
0xe9: {  	_ =	swait.ge [sflag:s20], $0x2000  }
0xea: {  	s30 =	rddreg [dreg:$0x9];
	[sflag:s20] =	ssyncset.done $0x0  }
0xeb: {  	[sflag:s20] =	ssyncadd.s32 $0xFFFFE000;
	s1 =	sadd.s32 s7, s30  }
0xec: {  	[hbm4b:s1+s4] =	stream.linear.scatter [tilespmem:s17], [sflag:$0xD], $0x2000, $0x38;
	[tilespmem:$0x18348] =	vst v63  }
0xed: {  	s1 =	simm.s32 @!p1 $0xF  }
0xee: {  	_ =	swait.ge @!p1 [sflag:s1], $0x2000  }
0xef: {  	[sflag:s1] =	ssyncset.done @!p1 $0x0  }
0xf0: {  	s31 =	sadd.s32 $0x180, s2;
	[sflag:s1] =	ssyncadd.s32 @!p1 $0xFFFFE000  }
0xf1: {  	[tilespmem:s21], [sflag:$0x7] =	stream.indirect.gather [spmem:s3], $0x80, s31, s9, $0xb8;
	[tilespmem:$0x18348] =	vst v63  }
0xf2: {  	_ =	swait.ge [sflag:s22], $0x2000  }
0xf3: {  	s26 =	rddreg [dreg:$0x8];
	[sflag:s22] =	ssyncset.done $0x0  }
0xf4: {  	[sflag:s22] =	ssyncadd.s32 $0xFFFFE000;
	s1 =	sadd.s32 s7, s26  }
0xf5: {  	[hbm4b:s1+s4] =	stream.linear.scatter [tilespmem:s19], [sflag:$0xE], $0x2000, $0x38;
	[tilespmem:$0x18348] =	vst v63  }
0xf6: {  	s1 =	simm.s32 @!p1 $0x10  }
0xf7: {  	_ =	swait.ge @!p1 [sflag:s1], $0x2000  }
0xf8: {  	[sflag:s1] =	ssyncset.done @!p1 $0x0  }
0xf9: {  	s29 =	sadd.s32 $0x1C0, s2;
	[sflag:s1] =	ssyncadd.s32 @!p1 $0xFFFFE000  }
0xfa: {  	[tilespmem:s23], [sflag:$0x8] =	stream.indirect.gather [spmem:s3], $0x80, s29, s9, $0xb8;
	[tilespmem:$0x18348] =	vst v63  }
0xfb: {  	_ =	swait.ge [sflag:s24], $0x2000  }
0xfc: {  	s30 =	rddreg [dreg:$0x7];
	[sflag:s24] =	ssyncset.done $0x0  }
0xfd: {  	p1 =	seq.s32 s8, $0x18800;
	[sflag:s24] =	ssyncadd.s32 $0xFFFFE000;
	s1 =	sadd.s32 s7, s30  }
0xfe: {  	[hbm4b:s1+s4] =	stream.linear.scatter [tilespmem:s21], [sflag:$0xF], $0x2000, $0x38;
	[tilespmem:$0x18348] =	vst v63  }
0xff: {  	s1 =	simm.s32 @!p1 $0x9  }
0x100: {  	_ =	swait.ge @!p1 [sflag:s1], $0x2000  }
0x101: {  	s2 =	sshra.s32 @!p1 s8, $0x2;
	s8 =	simm.s32 @!p1 $0x40;
	[sflag:s1] =	ssyncset.done @!p1 $0x0  }
0x102: {  	s2 =	sadd.s32 @!p1 $0x200, s2;
	[sflag:s1] =	ssyncadd.s32 @!p1 $0xFFFFE000;
	s1 =	simm.s32 @!p1 $0x6400  }
0x103: {  	[tilespmem:s1], [sflag:$0x1] =	stream.indirect.gather @!p1 [spmem:s3], $0x80, s2, s8, $0xb8;
	[tilespmem:$0x18348] =	vst v63  }
0x104: {  	_ =	swait.ge [sflag:s25], $0x2000  }
0x105: {  	s31 =	rddreg [dreg:$0x6];
	[sflag:s25] =	ssyncset.done $0x0  }
0x106: {  	s2 =	simm.s32 $0x9;
	s1 =	sadd.s32 s7, s31;
	[sflag:s25] =	ssyncadd.s32 $0xFFFFE000  }
0x107: {  	[hbm4b:s1+s4] =	stream.linear.scatter [tilespmem:s23], [sflag:$0x10], $0x2000, $0x38;
	[tilespmem:$0x18348] =	vst v63  }
0x108: {  	_ =	swait.ge [sflag:s2], $0x2000  }
0x109: {  	[sflag:s2] =	ssyncset.done $0x0  }
0x10a: {  	s7 =	simm.s32 $0xA;
	[sflag:s2] =	ssyncadd.s32 $0xFFFFE000  }
0x10b: {  	_ =	swait.ge [sflag:s7], $0x2000  }
0x10c: {  	[sflag:s7] =	ssyncset.done $0x0  }
0x10d: {  	s8 =	simm.s32 $0xB;
	[sflag:s7] =	ssyncadd.s32 $0xFFFFE000  }
0x10e: {  	_ =	swait.ge [sflag:s8], $0x2000  }
0x10f: {  	[sflag:s8] =	ssyncset.done $0x0  }
0x110: {  	s26 =	simm.s32 $0xC;
	[sflag:s8] =	ssyncadd.s32 $0xFFFFE000  }
0x111: {  	_ =	swait.ge [sflag:s26], $0x2000  }
0x112: {  	[sflag:s26] =	ssyncset.done $0x0  }
0x113: {  	s29 =	simm.s32 $0xD;
	[sflag:s26] =	ssyncadd.s32 $0xFFFFE000  }
0x114: {  	_ =	swait.ge [sflag:s29], $0x2000  }
0x115: {  	[sflag:s29] =	ssyncset.done $0x0  }
0x116: {  	s30 =	simm.s32 $0xE;
	[sflag:s29] =	ssyncadd.s32 $0xFFFFE000  }
0x117: {  	_ =	swait.ge [sflag:s30], $0x2000  }
0x118: {  	[sflag:s30] =	ssyncset.done $0x0  }
0x119: {  	[sflag:s30] =	ssyncadd.s32 $0xFFFFE000  }
0x11a: {  	_ =	swait.ge [sflag:s0], $0x2000  }
0x11b: {  	[sflag:s0] =	ssyncset.done $0x0  }
0x11c: {  	[sflag:s0] =	ssyncadd.s32 $0xFFFFE000  }
0x11d: {  	_ =	swait.ge [sflag:s5], $0x2000  }
0x11e: {  	s6 =	sadd.s32 $0x1, s6;
	s31 =	rddreg [dreg:$0xe]  }
0x11f: {  	p1 =	sne.s32 s6, s31  }
.Ltmp2:
0x120: {  	_ = 	snop;
	(pc) =	sbr.rel @p1 .LBB2_1-.Ltmp2, $3  }
0x121: {  	_ =	sdelay $0x1  }
0x122: {  	[sflag:s5] =	ssyncset.done $0x0  }
0x123: {  	[sflag:s5] =	ssyncadd.s32 $0xFFFFE000  }
0x124: {  	_ =	sfence.sel $0x180000  }
0x125: {  	[bflag:$0x0] =	sbarrier.arrive $0xFFFF  }
0x126: {  	_ =	strace $0x90000047  }
0x127: {  	[bflag:$0x2] =	sbarrier.arrive $0xFFFF  }
0x128: {  	s0 =	rddreg [dreg:$0x4]  }
0x129: {  	s0 =	sadd.s32 @!p0 $0x100000, s0  }
0x12a: {  	[sflag:s0] =	ssyncadd.tile.s32 @!p0 $0x1;
	_ =	shalt  }
.Lfunc_end2:
_tile_overlayer_lowered:
.L_overlay_start_2:
0x12b: {  	(tag) =	ssettag $0x2  }
0x12c: {  	s0 =	rddreg [dreg:$0x0];
	s2 =	stileid.u32  }
0x12d: {  	s1 =	rddreg [dreg:$0x1];
	p0 =	sne.s32 s2, $0x0  }
0x12e: {  	s3 =	rddreg [dreg:$0x2];
	[bflag:$0x3] =	sbarrier.arrive $0xFFFF;
	s2 =	simm.s32 @!p0 $0x1C11  }
0x12f: {  	[timem:s3], [sflag:s2] =	dma.local @!p0 [hbm:s0], s1  }
0x130: {  	s0 =	simm.s32 @!p0 $0x11  }
0x131: {  	_ =	swait.ge @!p0 [sflag:s0], s1  }
0x132: {  	s1 =	ssub.s32 @!p0 $0x0, s1;
	[sflag:s0] =	ssyncset.done @!p0 $0x0  }
0x133: {  	[sflag:s0] =	ssyncadd.s32 @!p0 s1  }
0x134: {  	[bflag:$0x3] =	sbarrier.arrive $0xFFFF  }
0x135: {  	_ =	shalt  }

</sc_bundles>
